<compile_context>
chip_gen: v7x
topology: tpu7x:2x2x1
jax: 0.10.2.dev20260603
libtpu: 0.0.44.dev20260713+nightly
codegen_flags: <defaults>
</compile_context>

<pallas_src>
import functools

import jax
import jax.numpy as jnp
from jax import lax
from jax.experimental import pallas as pl
from jax.experimental.pallas import tpu as pltpu
from jax.experimental.pallas import tpu_sc as plsc

_H = 256
_W = 256
_F = 32


_NC = 2
_PER_CORE = 48 // _NC


def _sc_gather_body(frames_hbm, out_hbm, buf, sem):
    w = lax.axis_index("c")
    base = w * _PER_CORE
    reads = []
    for i in range(_PER_CORE):
        q = base + i
        c = lax.div(q, 16)
        j = q - 16 * c
        src = c * 64 + lax.div(63 * j, 15)
        reads.append(
            pltpu.async_copy(
                frames_hbm.at[pl.ds(src, 1)], buf.at[pl.ds(i, 1)], sem
            )
        )
    for d in reads:
        d.wait()
    pltpu.sync_copy(buf, out_hbm.at[pl.ds(base, _PER_CORE)])


_sc_gather = functools.partial(
    pl.kernel,
    mesh=plsc.ScalarSubcoreMesh(axis_name="c", num_cores=_NC),
    out_type=jax.ShapeDtypeStruct((48, _H, _W), jnp.float32),
    scratch_types=[
        pltpu.VMEM_SHARED((_PER_CORE, _H, _W), jnp.float32),
        pltpu.SemaphoreType.DMA,
    ],
)(_sc_gather_body)




def _copy_body(in_ref, fast_ref):
    fast_ref[...] = in_ref[...]


def _tc_copy(frames_flat):
    n_blocks = frames_flat.shape[0] // _F
    return pl.pallas_call(
        _copy_body,
        grid=(n_blocks,),
        in_specs=[pl.BlockSpec((_F, _H, _W), lambda k: (k, 0, 0))],
        out_specs=pl.BlockSpec((_F, _H, _W), lambda k: (k, 0, 0)),
        out_shape=jax.ShapeDtypeStruct((n_blocks * _F, _H, _W), jnp.float32),
        compiler_params=pltpu.CompilerParams(
            dimension_semantics=("arbitrary",),
        ),
    )(frames_flat)


def kernel(frames):
    c, t, h, w = frames.shape
    flat = frames.reshape(c * t, h, w)
    fast = _tc_copy(flat)
    slow = _sc_gather(flat)
    return (
        slow.reshape(c, t // 4, h, w),
        fast.reshape(c, t, h, w),
    )

# --- scband reference (transcript-rebuilt; emitter-appended) ---
"""Pipeline reference for scband-pack-pathway-87952340287620 (READ-ONLY COPY).

The authoritative reference and input builder live on the scoring server;
editing this copy changes nothing except your own understanding.
"""

import jax, jax.numpy as jnp
import numpy as np

ALPHA = 4

def setup_inputs(seed: int = 0) -> dict:
    key = jax.random.key(seed)
    frames = jax.random.normal(key, (3, 64, 256, 256), dtype=jnp.float32)
    return {"frames": frames}

def reference(frames):
    # Faithful translation of PackPathway.forward:
    #   fast_pathway = frames
    #   slow_pathway = torch.index_select(frames, 1, torch.linspace(0, T-1, T//alpha).long())
    T = frames.shape[1]
    idx = jnp.linspace(0.0, T - 1, T // ALPHA).astype(jnp.int32)  # .long() truncates like astype
    slow_pathway = jnp.take(frames, idx, axis=1)
    fast_pathway = frames
    return (slow_pathway, fast_pathway)

if __name__ == "__main__":
    import jax
    _d = setup_inputs()
    print(jax.jit(kernel)(*tuple(_d.values())))

</pallas_src>

<mosaic_0001>
#map = affine_map<(d0) -> (0, 0, 0)>
module attributes {stable_mosaic.version = 14 : i64} {
  func.func @_sc_gather_body(%arg0: i32, %arg1: memref<192x256x256xf32, #tpu.memory_space<hbm>>, %arg2: memref<48x256x256xf32, #tpu.memory_space<hbm>>, %arg3: memref<24x256x256xf32, #tpu.memory_space<vmem_shared>>, %arg4: memref<!tpu.dma_semaphore, #tpu.memory_space<semaphore_mem>>) attributes {dimension_semantics = [#tpu.dimension_semantics<core_parallel>], iteration_bounds = array<i64: 2>, scalar_prefetch = 0 : i64, scratch_operands = 2 : i64, tpu.core_type = #tpu.core_type<sc_scalar_subcore>, window_params = [{transform_indices = #map}, {transform_indices = #map}]} {
    %mul3A = arith.constant 24 : i32
    %mul3A_0 = arith.muli %arg0, %mul3A : i32
    %add3A = arith.constant 0 : i32
    %add3A_1 = arith.addi %mul3A_0, %add3A : i32
    %div3A = arith.constant 16 : i32
    %div3A_2 = arith.divsi %add3A_1, %div3A : i32
    %mul3A_3 = arith.constant 16 : i32
    %mul3A_4 = arith.muli %mul3A_3, %div3A_2 : i32
    %sub3A = arith.subi %add3A_1, %mul3A_4 : i32
    %mul3A_5 = arith.constant 64 : i32
    %mul3A_6 = arith.muli %div3A_2, %mul3A_5 : i32
    %mul3A_7 = arith.constant 63 : i32
    %mul3A_8 = arith.muli %mul3A_7, %sub3A : i32
    %div3A_9 = arith.constant 15 : i32
    %div3A_10 = arith.divsi %mul3A_8, %div3A_9 : i32
    %add3A_11 = arith.addi %mul3A_6, %div3A_10 : i32
    %dma_start3A = arith.constant 0 : i32
    %dma_start3A_12 = arith.constant 0 : i32
    %dma_start3A_13 = arith.constant 0 : i32
    %dma_start3A_14 = tpu.memref_slice %arg3[%dma_start3A, %dma_start3A_12, %dma_start3A_13] : memref<24x256x256xf32, #tpu.memory_space<vmem_shared>> -> memref<1x256x256xf32, #tpu.memory_space<vmem_shared>>
    %dma_start3A_15 = arith.constant 0 : i32
    %dma_start3A_16 = arith.constant 0 : i32
    %dma_start3A_17 = tpu.memref_slice %arg1[%add3A_11, %dma_start3A_15, %dma_start3A_16] : memref<192x256x256xf32, #tpu.memory_space<hbm>> -> memref<1x256x256xf32, #tpu.memory_space<hbm>>
    tpu.enqueue_dma source(%dma_start3A_17 : memref<1x256x256xf32, #tpu.memory_space<hbm>>) target(%dma_start3A_14 : memref<1x256x256xf32, #tpu.memory_space<vmem_shared>>) target_semaphore(%arg4 : memref<!tpu.dma_semaphore, #tpu.memory_space<semaphore_mem>>)
    %add3A_18 = arith.constant 1 : i32
    %add3A_19 = arith.addi %mul3A_0, %add3A_18 : i32
    %div3A_20 = arith.constant 16 : i32
    %div3A_21 = arith.divsi %add3A_19, %div3A_20 : i32
    %mul3A_22 = arith.constant 16 : i32
    %mul3A_23 = arith.muli %mul3A_22, %div3A_21 : i32
    %sub3A_24 = arith.subi %add3A_19, %mul3A_23 : i32
    %mul3A_25 = arith.constant 64 : i32
    %mul3A_26 = arith.muli %div3A_21, %mul3A_25 : i32
    %mul3A_27 = arith.constant 63 : i32
    %mul3A_28 = arith.muli %mul3A_27, %sub3A_24 : i32
    %div3A_29 = arith.constant 15 : i32
    %div3A_30 = arith.divsi %mul3A_28, %div3A_29 : i32
    %add3A_31 = arith.addi %mul3A_26, %div3A_30 : i32
    %dma_start3A_32 = arith.constant 1 : i32
    %dma_start3A_33 = arith.constant 0 : i32
    %dma_start3A_34 = arith.constant 0 : i32
    %dma_start3A_35 = tpu.memref_slice %arg3[%dma_start3A_32, %dma_start3A_33, %dma_start3A_34] : memref<24x256x256xf32, #tpu.memory_space<vmem_shared>> -> memref<1x256x256xf32, #tpu.memory_space<vmem_shared>>
    %dma_start3A_36 = arith.constant 0 : i32
    %dma_start3A_37 = arith.constant 0 : i32
    %dma_start3A_38 = tpu.memref_slice %arg1[%add3A_31, %dma_start3A_36, %dma_start3A_37] : memref<192x256x256xf32, #tpu.memory_space<hbm>> -> memref<1x256x256xf32, #tpu.memory_space<hbm>>
    tpu.enqueue_dma source(%dma_start3A_38 : memref<1x256x256xf32, #tpu.memory_space<hbm>>) target(%dma_start3A_35 : memref<1x256x256xf32, #tpu.memory_space<vmem_shared>>) target_semaphore(%arg4 : memref<!tpu.dma_semaphore, #tpu.memory_space<semaphore_mem>>)
    %add3A_39 = arith.constant 2 : i32
    %add3A_40 = arith.addi %mul3A_0, %add3A_39 : i32
    %div3A_41 = arith.constant 16 : i32
    %div3A_42 = arith.divsi %add3A_40, %div3A_41 : i32
    %mul3A_43 = arith.constant 16 : i32
    %mul3A_44 = arith.muli %mul3A_43, %div3A_42 : i32
    %sub3A_45 = arith.subi %add3A_40, %mul3A_44 : i32
    %mul3A_46 = arith.constant 64 : i32
    %mul3A_47 = arith.muli %div3A_42, %mul3A_46 : i32
    %mul3A_48 = arith.constant 63 : i32
    %mul3A_49 = arith.muli %mul3A_48, %sub3A_45 : i32
    %div3A_50 = arith.constant 15 : i32
    %div3A_51 = arith.divsi %mul3A_49, %div3A_50 : i32
    %add3A_52 = arith.addi %mul3A_47, %div3A_51 : i32
    %dma_start3A_53 = arith.constant 2 : i32
    %dma_start3A_54 = arith.constant 0 : i32
    %dma_start3A_55 = arith.constant 0 : i32
    %dma_start3A_56 = tpu.memref_slice %arg3[%dma_start3A_53, %dma_start3A_54, %dma_start3A_55] : memref<24x256x256xf32, #tpu.memory_space<vmem_shared>> -> memref<1x256x256xf32, #tpu.memory_space<vmem_shared>>
    %dma_start3A_57 = arith.constant 0 : i32
    %dma_start3A_58 = arith.constant 0 : i32
    %dma_start3A_59 = tpu.memref_slice %arg1[%add3A_52, %dma_start3A_57, %dma_start3A_58] : memref<192x256x256xf32, #tpu.memory_space<hbm>> -> memref<1x256x256xf32, #tpu.memory_space<hbm>>
    tpu.enqueue_dma source(%dma_start3A_59 : memref<1x256x256xf32, #tpu.memory_space<hbm>>) target(%dma_start3A_56 : memref<1x256x256xf32, #tpu.memory_space<vmem_shared>>) target_semaphore(%arg4 : memref<!tpu.dma_semaphore, #tpu.memory_space<semaphore_mem>>)
    %add3A_60 = arith.constant 3 : i32
    %add3A_61 = arith.addi %mul3A_0, %add3A_60 : i32
    %div3A_62 = arith.constant 16 : i32
    %div3A_63 = arith.divsi %add3A_61, %div3A_62 : i32
    %mul3A_64 = arith.constant 16 : i32
    %mul3A_65 = arith.muli %mul3A_64, %div3A_63 : i32
    %sub3A_66 = arith.subi %add3A_61, %mul3A_65 : i32
    %mul3A_67 = arith.constant 64 : i32
    %mul3A_68 = arith.muli %div3A_63, %mul3A_67 : i32
    %mul3A_69 = arith.constant 63 : i32
    %mul3A_70 = arith.muli %mul3A_69, %sub3A_66 : i32
    %div3A_71 = arith.constant 15 : i32
    %div3A_72 = arith.divsi %mul3A_70, %div3A_71 : i32
    %add3A_73 = arith.addi %mul3A_68, %div3A_72 : i32
    %dma_start3A_74 = arith.constant 3 : i32
    %dma_start3A_75 = arith.constant 0 : i32
    %dma_start3A_76 = arith.constant 0 : i32
    %dma_start3A_77 = tpu.memref_slice %arg3[%dma_start3A_74, %dma_start3A_75, %dma_start3A_76] : memref<24x256x256xf32, #tpu.memory_space<vmem_shared>> -> memref<1x256x256xf32, #tpu.memory_space<vmem_shared>>
    %dma_start3A_78 = arith.constant 0 : i32
    %dma_start3A_79 = arith.constant 0 : i32
    %dma_start3A_80 = tpu.memref_slice %arg1[%add3A_73, %dma_start3A_78, %dma_start3A_79] : memref<192x256x256xf32, #tpu.memory_space<hbm>> -> memref<1x256x256xf32, #tpu.memory_space<hbm>>
    tpu.enqueue_dma source(%dma_start3A_80 : memref<1x256x256xf32, #tpu.memory_space<hbm>>) target(%dma_start3A_77 : memref<1x256x256xf32, #tpu.memory_space<vmem_shared>>) target_semaphore(%arg4 : memref<!tpu.dma_semaphore, #tpu.memory_space<semaphore_mem>>)
    %add3A_81 = arith.constant 4 : i32
    %add3A_82 = arith.addi %mul3A_0, %add3A_81 : i32
    %div3A_83 = arith.constant 16 : i32
    %div3A_84 = arith.divsi %add3A_82, %div3A_83 : i32
    %mul3A_85 = arith.constant 16 : i32
    %mul3A_86 = arith.muli %mul3A_85, %div3A_84 : i32
    %sub3A_87 = arith.subi %add3A_82, %mul3A_86 : i32
    %mul3A_88 = arith.constant 64 : i32
    %mul3A_89 = arith.muli %div3A_84, %mul3A_88 : i32
    %mul3A_90 = arith.constant 63 : i32
    %mul3A_91 = arith.muli %mul3A_90, %sub3A_87 : i32
    %div3A_92 = arith.constant 15 : i32
    %div3A_93 = arith.divsi %mul3A_91, %div3A_92 : i32
    %add3A_94 = arith.addi %mul3A_89, %div3A_93 : i32
    %dma_start3A_95 = arith.constant 4 : i32
    %dma_start3A_96 = arith.constant 0 : i32
    %dma_start3A_97 = arith.constant 0 : i32
    %dma_start3A_98 = tpu.memref_slice %arg3[%dma_start3A_95, %dma_start3A_96, %dma_start3A_97] : memref<24x256x256xf32, #tpu.memory_space<vmem_shared>> -> memref<1x256x256xf32, #tpu.memory_space<vmem_shared>>
    %dma_start3A_99 = arith.constant 0 : i32
    %dma_start3A_100 = arith.constant 0 : i32
    %dma_start3A_101 = tpu.memref_slice %arg1[%add3A_94, %dma_start3A_99, %dma_start3A_100] : memref<192x256x256xf32, #tpu.memory_space<hbm>> -> memref<1x256x256xf32, #tpu.memory_space<hbm>>
    tpu.enqueue_dma source(%dma_start3A_101 : memref<1x256x256xf32, #tpu.memory_space<hbm>>) target(%dma_start3A_98 : memref<1x256x256xf32, #tpu.memory_space<vmem_shared>>) target_semaphore(%arg4 : memref<!tpu.dma_semaphore, #tpu.memory_space<semaphore_mem>>)
    %add3A_102 = arith.constant 5 : i32
    %add3A_103 = arith.addi %mul3A_0, %add3A_102 : i32
    %div3A_104 = arith.constant 16 : i32
    %div3A_105 = arith.divsi %add3A_103, %div3A_104 : i32
    %mul3A_106 = arith.constant 16 : i32
    %mul3A_107 = arith.muli %mul3A_106, %div3A_105 : i32
    %sub3A_108 = arith.subi %add3A_103, %mul3A_107 : i32
    %mul3A_109 = arith.constant 64 : i32
    %mul3A_110 = arith.muli %div3A_105, %mul3A_109 : i32
    %mul3A_111 = arith.constant 63 : i32
    %mul3A_112 = arith.muli %mul3A_111, %sub3A_108 : i32
    %div3A_113 = arith.constant 15 : i32
    %div3A_114 = arith.divsi %mul3A_112, %div3A_113 : i32
    %add3A_115 = arith.addi %mul3A_110, %div3A_114 : i32
    %dma_start3A_116 = arith.constant 5 : i32
    %dma_start3A_117 = arith.constant 0 : i32
    %dma_start3A_118 = arith.constant 0 : i32
    %dma_start3A_119 = tpu.memref_slice %arg3[%dma_start3A_116, %dma_start3A_117, %dma_start3A_118] : memref<24x256x256xf32, #tpu.memory_space<vmem_shared>> -> memref<1x256x256xf32, #tpu.memory_space<vmem_shared>>
    %dma_start3A_120 = arith.constant 0 : i32
    %dma_start3A_121 = arith.constant 0 : i32
    %dma_start3A_122 = tpu.memref_slice %arg1[%add3A_115, %dma_start3A_120, %dma_start3A_121] : memref<192x256x256xf32, #tpu.memory_space<hbm>> -> memref<1x256x256xf32, #tpu.memory_space<hbm>>
    tpu.enqueue_dma source(%dma_start3A_122 : memref<1x256x256xf32, #tpu.memory_space<hbm>>) target(%dma_start3A_119 : memref<1x256x256xf32, #tpu.memory_space<vmem_shared>>) target_semaphore(%arg4 : memref<!tpu.dma_semaphore, #tpu.memory_space<semaphore_mem>>)
    %add3A_123 = arith.constant 6 : i32
    %add3A_124 = arith.addi %mul3A_0, %add3A_123 : i32
    %div3A_125 = arith.constant 16 : i32
    %div3A_126 = arith.divsi %add3A_124, %div3A_125 : i32
    %mul3A_127 = arith.constant 16 : i32
    %mul3A_128 = arith.muli %mul3A_127, %div3A_126 : i32
    %sub3A_129 = arith.subi %add3A_124, %mul3A_128 : i32
    %mul3A_130 = arith.constant 64 : i32
    %mul3A_131 = arith.muli %div3A_126, %mul3A_130 : i32
    %mul3A_132 = arith.constant 63 : i32
    %mul3A_133 = arith.muli %mul3A_132, %sub3A_129 : i32
    %div3A_134 = arith.constant 15 : i32
    %div3A_135 = arith.divsi %mul3A_133, %div3A_134 : i32
    %add3A_136 = arith.addi %mul3A_131, %div3A_135 : i32
    %dma_start3A_137 = arith.constant 6 : i32
    %dma_start3A_138 = arith.constant 0 : i32
    %dma_start3A_139 = arith.constant 0 : i32
    %dma_start3A_140 = tpu.memref_slice %arg3[%dma_start3A_137, %dma_start3A_138, %dma_start3A_139] : memref<24x256x256xf32, #tpu.memory_space<vmem_shared>> -> memref<1x256x256xf32, #tpu.memory_space<vmem_shared>>
    %dma_start3A_141 = arith.constant 0 : i32
    %dma_start3A_142 = arith.constant 0 : i32
    %dma_start3A_143 = tpu.memref_slice %arg1[%add3A_136, %dma_start3A_141, %dma_start3A_142] : memref<192x256x256xf32, #tpu.memory_space<hbm>> -> memref<1x256x256xf32, #tpu.memory_space<hbm>>
    tpu.enqueue_dma source(%dma_start3A_143 : memref<1x256x256xf32, #tpu.memory_space<hbm>>) target(%dma_start3A_140 : memref<1x256x256xf32, #tpu.memory_space<vmem_shared>>) target_semaphore(%arg4 : memref<!tpu.dma_semaphore, #tpu.memory_space<semaphore_mem>>)
    %add3A_144 = arith.constant 7 : i32
    %add3A_145 = arith.addi %mul3A_0, %add3A_144 : i32
    %div3A_146 = arith.constant 16 : i32
    %div3A_147 = arith.divsi %add3A_145, %div3A_146 : i32
    %mul3A_148 = arith.constant 16 : i32
    %mul3A_149 = arith.muli %mul3A_148, %div3A_147 : i32
    %sub3A_150 = arith.subi %add3A_145, %mul3A_149 : i32
    %mul3A_151 = arith.constant 64 : i32
    %mul3A_152 = arith.muli %div3A_147, %mul3A_151 : i32
    %mul3A_153 = arith.constant 63 : i32
    %mul3A_154 = arith.muli %mul3A_153, %sub3A_150 : i32
    %div3A_155 = arith.constant 15 : i32
    %div3A_156 = arith.divsi %mul3A_154, %div3A_155 : i32
    %add3A_157 = arith.addi %mul3A_152, %div3A_156 : i32
    %dma_start3A_158 = arith.constant 7 : i32
    %dma_start3A_159 = arith.constant 0 : i32
    %dma_start3A_160 = arith.constant 0 : i32
    %dma_start3A_161 = tpu.memref_slice %arg3[%dma_start3A_158, %dma_start3A_159, %dma_start3A_160] : memref<24x256x256xf32, #tpu.memory_space<vmem_shared>> -> memref<1x256x256xf32, #tpu.memory_space<vmem_shared>>
    %dma_start3A_162 = arith.constant 0 : i32
    %dma_start3A_163 = arith.constant 0 : i32
    %dma_start3A_164 = tpu.memref_slice %arg1[%add3A_157, %dma_start3A_162, %dma_start3A_163] : memref<192x256x256xf32, #tpu.memory_space<hbm>> -> memref<1x256x256xf32, #tpu.memory_space<hbm>>
    tpu.enqueue_dma source(%dma_start3A_164 : memref<1x256x256xf32, #tpu.memory_space<hbm>>) target(%dma_start3A_161 : memref<1x256x256xf32, #tpu.memory_space<vmem_shared>>) target_semaphore(%arg4 : memref<!tpu.dma_semaphore, #tpu.memory_space<semaphore_mem>>)
    %add3A_165 = arith.constant 8 : i32
    %add3A_166 = arith.addi %mul3A_0, %add3A_165 : i32
    %div3A_167 = arith.constant 16 : i32
    %div3A_168 = arith.divsi %add3A_166, %div3A_167 : i32
    %mul3A_169 = arith.constant 16 : i32
    %mul3A_170 = arith.muli %mul3A_169, %div3A_168 : i32
    %sub3A_171 = arith.subi %add3A_166, %mul3A_170 : i32
    %mul3A_172 = arith.constant 64 : i32
    %mul3A_173 = arith.muli %div3A_168, %mul3A_172 : i32
    %mul3A_174 = arith.constant 63 : i32
    %mul3A_175 = arith.muli %mul3A_174, %sub3A_171 : i32
    %div3A_176 = arith.constant 15 : i32
    %div3A_177 = arith.divsi %mul3A_175, %div3A_176 : i32
    %add3A_178 = arith.addi %mul3A_173, %div3A_177 : i32
    %dma_start3A_179 = arith.constant 8 : i32
    %dma_start3A_180 = arith.constant 0 : i32
    %dma_start3A_181 = arith.constant 0 : i32
    %dma_start3A_182 = tpu.memref_slice %arg3[%dma_start3A_179, %dma_start3A_180, %dma_start3A_181] : memref<24x256x256xf32, #tpu.memory_space<vmem_shared>> -> memref<1x256x256xf32, #tpu.memory_space<vmem_shared>>
    %dma_start3A_183 = arith.constant 0 : i32
    %dma_start3A_184 = arith.constant 0 : i32
    %dma_start3A_185 = tpu.memref_slice %arg1[%add3A_178, %dma_start3A_183, %dma_start3A_184] : memref<192x256x256xf32, #tpu.memory_space<hbm>> -> memref<1x256x256xf32, #tpu.memory_space<hbm>>
    tpu.enqueue_dma source(%dma_start3A_185 : memref<1x256x256xf32, #tpu.memory_space<hbm>>) target(%dma_start3A_182 : memref<1x256x256xf32, #tpu.memory_space<vmem_shared>>) target_semaphore(%arg4 : memref<!tpu.dma_semaphore, #tpu.memory_space<semaphore_mem>>)
    %add3A_186 = arith.constant 9 : i32
    %add3A_187 = arith.addi %mul3A_0, %add3A_186 : i32
    %div3A_188 = arith.constant 16 : i32
    %div3A_189 = arith.divsi %add3A_187, %div3A_188 : i32
    %mul3A_190 = arith.constant 16 : i32
    %mul3A_191 = arith.muli %mul3A_190, %div3A_189 : i32
    %sub3A_192 = arith.subi %add3A_187, %mul3A_191 : i32
    %mul3A_193 = arith.constant 64 : i32
    %mul3A_194 = arith.muli %div3A_189, %mul3A_193 : i32
    %mul3A_195 = arith.constant 63 : i32
    %mul3A_196 = arith.muli %mul3A_195, %sub3A_192 : i32
    %div3A_197 = arith.constant 15 : i32
    %div3A_198 = arith.divsi %mul3A_196, %div3A_197 : i32
    %add3A_199 = arith.addi %mul3A_194, %div3A_198 : i32
    %dma_start3A_200 = arith.constant 9 : i32
    %dma_start3A_201 = arith.constant 0 : i32
    %dma_start3A_202 = arith.constant 0 : i32
    %dma_start3A_203 = tpu.memref_slice %arg3[%dma_start3A_200, %dma_start3A_201, %dma_start3A_202] : memref<24x256x256xf32, #tpu.memory_space<vmem_shared>> -> memref<1x256x256xf32, #tpu.memory_space<vmem_shared>>
    %dma_start3A_204 = arith.constant 0 : i32
    %dma_start3A_205 = arith.constant 0 : i32
    %dma_start3A_206 = tpu.memref_slice %arg1[%add3A_199, %dma_start3A_204, %dma_start3A_205] : memref<192x256x256xf32, #tpu.memory_space<hbm>> -> memref<1x256x256xf32, #tpu.memory_space<hbm>>
    tpu.enqueue_dma source(%dma_start3A_206 : memref<1x256x256xf32, #tpu.memory_space<hbm>>) target(%dma_start3A_203 : memref<1x256x256xf32, #tpu.memory_space<vmem_shared>>) target_semaphore(%arg4 : memref<!tpu.dma_semaphore, #tpu.memory_space<semaphore_mem>>)
    %add3A_207 = arith.constant 10 : i32
    %add3A_208 = arith.addi %mul3A_0, %add3A_207 : i32
    %div3A_209 = arith.constant 16 : i32
    %div3A_210 = arith.divsi %add3A_208, %div3A_209 : i32
    %mul3A_211 = arith.constant 16 : i32
    %mul3A_212 = arith.muli %mul3A_211, %div3A_210 : i32
    %sub3A_213 = arith.subi %add3A_208, %mul3A_212 : i32
    %mul3A_214 = arith.constant 64 : i32
    %mul3A_215 = arith.muli %div3A_210, %mul3A_214 : i32
    %mul3A_216 = arith.constant 63 : i32
    %mul3A_217 = arith.muli %mul3A_216, %sub3A_213 : i32
    %div3A_218 = arith.constant 15 : i32
    %div3A_219 = arith.divsi %mul3A_217, %div3A_218 : i32
    %add3A_220 = arith.addi %mul3A_215, %div3A_219 : i32
    %dma_start3A_221 = arith.constant 10 : i32
    %dma_start3A_222 = arith.constant 0 : i32
    %dma_start3A_223 = arith.constant 0 : i32
    %dma_start3A_224 = tpu.memref_slice %arg3[%dma_start3A_221, %dma_start3A_222, %dma_start3A_223] : memref<24x256x256xf32, #tpu.memory_space<vmem_shared>> -> memref<1x256x256xf32, #tpu.memory_space<vmem_shared>>
    %dma_start3A_225 = arith.constant 0 : i32
    %dma_start3A_226 = arith.constant 0 : i32
    %dma_start3A_227 = tpu.memref_slice %arg1[%add3A_220, %dma_start3A_225, %dma_start3A_226] : memref<192x256x256xf32, #tpu.memory_space<hbm>> -> memref<1x256x256xf32, #tpu.memory_space<hbm>>
    tpu.enqueue_dma source(%dma_start3A_227 : memref<1x256x256xf32, #tpu.memory_space<hbm>>) target(%dma_start3A_224 : memref<1x256x256xf32, #tpu.memory_space<vmem_shared>>) target_semaphore(%arg4 : memref<!tpu.dma_semaphore, #tpu.memory_space<semaphore_mem>>)
    %add3A_228 = arith.constant 11 : i32
    %add3A_229 = arith.addi %mul3A_0, %add3A_228 : i32
    %div3A_230 = arith.constant 16 : i32
    %div3A_231 = arith.divsi %add3A_229, %div3A_230 : i32
    %mul3A_232 = arith.constant 16 : i32
    %mul3A_233 = arith.muli %mul3A_232, %div3A_231 : i32
    %sub3A_234 = arith.subi %add3A_229, %mul3A_233 : i32
    %mul3A_235 = arith.constant 64 : i32
    %mul3A_236 = arith.muli %div3A_231, %mul3A_235 : i32
    %mul3A_237 = arith.constant 63 : i32
    %mul3A_238 = arith.muli %mul3A_237, %sub3A_234 : i32
    %div3A_239 = arith.constant 15 : i32
    %div3A_240 = arith.divsi %mul3A_238, %div3A_239 : i32
    %add3A_241 = arith.addi %mul3A_236, %div3A_240 : i32
    %dma_start3A_242 = arith.constant 11 : i32
    %dma_start3A_243 = arith.constant 0 : i32
    %dma_start3A_244 = arith.constant 0 : i32
    %dma_start3A_245 = tpu.memref_slice %arg3[%dma_start3A_242, %dma_start3A_243, %dma_start3A_244] : memref<24x256x256xf32, #tpu.memory_space<vmem_shared>> -> memref<1x256x256xf32, #tpu.memory_space<vmem_shared>>
    %dma_start3A_246 = arith.constant 0 : i32
    %dma_start3A_247 = arith.constant 0 : i32
    %dma_start3A_248 = tpu.memref_slice %arg1[%add3A_241, %dma_start3A_246, %dma_start3A_247] : memref<192x256x256xf32, #tpu.memory_space<hbm>> -> memref<1x256x256xf32, #tpu.memory_space<hbm>>
    tpu.enqueue_dma source(%dma_start3A_248 : memref<1x256x256xf32, #tpu.memory_space<hbm>>) target(%dma_start3A_245 : memref<1x256x256xf32, #tpu.memory_space<vmem_shared>>) target_semaphore(%arg4 : memref<!tpu.dma_semaphore, #tpu.memory_space<semaphore_mem>>)
    %add3A_249 = arith.constant 12 : i32
    %add3A_250 = arith.addi %mul3A_0, %add3A_249 : i32
    %div3A_251 = arith.constant 16 : i32
    %div3A_252 = arith.divsi %add3A_250, %div3A_251 : i32
    %mul3A_253 = arith.constant 16 : i32
    %mul3A_254 = arith.muli %mul3A_253, %div3A_252 : i32
    %sub3A_255 = arith.subi %add3A_250, %mul3A_254 : i32
    %mul3A_256 = arith.constant 64 : i32
    %mul3A_257 = arith.muli %div3A_252, %mul3A_256 : i32
    %mul3A_258 = arith.constant 63 : i32
    %mul3A_259 = arith.muli %mul3A_258, %sub3A_255 : i32
    %div3A_260 = arith.constant 15 : i32
    %div3A_261 = arith.divsi %mul3A_259, %div3A_260 : i32
    %add3A_262 = arith.addi %mul3A_257, %div3A_261 : i32
    %dma_start3A_263 = arith.constant 12 : i32
    %dma_start3A_264 = arith.constant 0 : i32
    %dma_start3A_265 = arith.constant 0 : i32
    %dma_start3A_266 = tpu.memref_slice %arg3[%dma_start3A_263, %dma_start3A_264, %dma_start3A_265] : memref<24x256x256xf32, #tpu.memory_space<vmem_shared>> -> memref<1x256x256xf32, #tpu.memory_space<vmem_shared>>
    %dma_start3A_267 = arith.constant 0 : i32
    %dma_start3A_268 = arith.constant 0 : i32
    %dma_start3A_269 = tpu.memref_slice %arg1[%add3A_262, %dma_start3A_267, %dma_start3A_268] : memref<192x256x256xf32, #tpu.memory_space<hbm>> -> memref<1x256x256xf32, #tpu.memory_space<hbm>>
    tpu.enqueue_dma source(%dma_start3A_269 : memref<1x256x256xf32, #tpu.memory_space<hbm>>) target(%dma_start3A_266 : memref<1x256x256xf32, #tpu.memory_space<vmem_shared>>) target_semaphore(%arg4 : memref<!tpu.dma_semaphore, #tpu.memory_space<semaphore_mem>>)
    %add3A_270 = arith.constant 13 : i32
    %add3A_271 = arith.addi %mul3A_0, %add3A_270 : i32
    %div3A_272 = arith.constant 16 : i32
    %div3A_273 = arith.divsi %add3A_271, %div3A_272 : i32
    %mul3A_274 = arith.constant 16 : i32
    %mul3A_275 = arith.muli %mul3A_274, %div3A_273 : i32
    %sub3A_276 = arith.subi %add3A_271, %mul3A_275 : i32
    %mul3A_277 = arith.constant 64 : i32
    %mul3A_278 = arith.muli %div3A_273, %mul3A_277 : i32
    %mul3A_279 = arith.constant 63 : i32
    %mul3A_280 = arith.muli %mul3A_279, %sub3A_276 : i32
    %div3A_281 = arith.constant 15 : i32
    %div3A_282 = arith.divsi %mul3A_280, %div3A_281 : i32
    %add3A_283 = arith.addi %mul3A_278, %div3A_282 : i32
    %dma_start3A_284 = arith.constant 13 : i32
    %dma_start3A_285 = arith.constant 0 : i32
    %dma_start3A_286 = arith.constant 0 : i32
    %dma_start3A_287 = tpu.memref_slice %arg3[%dma_start3A_284, %dma_start3A_285, %dma_start3A_286] : memref<24x256x256xf32, #tpu.memory_space<vmem_shared>> -> memref<1x256x256xf32, #tpu.memory_space<vmem_shared>>
    %dma_start3A_288 = arith.constant 0 : i32
    %dma_start3A_289 = arith.constant 0 : i32
    %dma_start3A_290 = tpu.memref_slice %arg1[%add3A_283, %dma_start3A_288, %dma_start3A_289] : memref<192x256x256xf32, #tpu.memory_space<hbm>> -> memref<1x256x256xf32, #tpu.memory_space<hbm>>
    tpu.enqueue_dma source(%dma_start3A_290 : memref<1x256x256xf32, #tpu.memory_space<hbm>>) target(%dma_start3A_287 : memref<1x256x256xf32, #tpu.memory_space<vmem_shared>>) target_semaphore(%arg4 : memref<!tpu.dma_semaphore, #tpu.memory_space<semaphore_mem>>)
    %add3A_291 = arith.constant 14 : i32
    %add3A_292 = arith.addi %mul3A_0, %add3A_291 : i32
    %div3A_293 = arith.constant 16 : i32
    %div3A_294 = arith.divsi %add3A_292, %div3A_293 : i32
    %mul3A_295 = arith.constant 16 : i32
    %mul3A_296 = arith.muli %mul3A_295, %div3A_294 : i32
    %sub3A_297 = arith.subi %add3A_292, %mul3A_296 : i32
    %mul3A_298 = arith.constant 64 : i32
    %mul3A_299 = arith.muli %div3A_294, %mul3A_298 : i32
    %mul3A_300 = arith.constant 63 : i32
    %mul3A_301 = arith.muli %mul3A_300, %sub3A_297 : i32
    %div3A_302 = arith.constant 15 : i32
    %div3A_303 = arith.divsi %mul3A_301, %div3A_302 : i32
    %add3A_304 = arith.addi %mul3A_299, %div3A_303 : i32
    %dma_start3A_305 = arith.constant 14 : i32
    %dma_start3A_306 = arith.constant 0 : i32
    %dma_start3A_307 = arith.constant 0 : i32
    %dma_start3A_308 = tpu.memref_slice %arg3[%dma_start3A_305, %dma_start3A_306, %dma_start3A_307] : memref<24x256x256xf32, #tpu.memory_space<vmem_shared>> -> memref<1x256x256xf32, #tpu.memory_space<vmem_shared>>
    %dma_start3A_309 = arith.constant 0 : i32
    %dma_start3A_310 = arith.constant 0 : i32
    %dma_start3A_311 = tpu.memref_slice %arg1[%add3A_304, %dma_start3A_309, %dma_start3A_310] : memref<192x256x256xf32, #tpu.memory_space<hbm>> -> memref<1x256x256xf32, #tpu.memory_space<hbm>>
    tpu.enqueue_dma source(%dma_start3A_311 : memref<1x256x256xf32, #tpu.memory_space<hbm>>) target(%dma_start3A_308 : memref<1x256x256xf32, #tpu.memory_space<vmem_shared>>) target_semaphore(%arg4 : memref<!tpu.dma_semaphore, #tpu.memory_space<semaphore_mem>>)
    %add3A_312 = arith.constant 15 : i32
    %add3A_313 = arith.addi %mul3A_0, %add3A_312 : i32
    %div3A_314 = arith.constant 16 : i32
    %div3A_315 = arith.divsi %add3A_313, %div3A_314 : i32
    %mul3A_316 = arith.constant 16 : i32
    %mul3A_317 = arith.muli %mul3A_316, %div3A_315 : i32
    %sub3A_318 = arith.subi %add3A_313, %mul3A_317 : i32
    %mul3A_319 = arith.constant 64 : i32
    %mul3A_320 = arith.muli %div3A_315, %mul3A_319 : i32
    %mul3A_321 = arith.constant 63 : i32
    %mul3A_322 = arith.muli %mul3A_321, %sub3A_318 : i32
    %div3A_323 = arith.constant 15 : i32
    %div3A_324 = arith.divsi %mul3A_322, %div3A_323 : i32
    %add3A_325 = arith.addi %mul3A_320, %div3A_324 : i32
    %dma_start3A_326 = arith.constant 15 : i32
    %dma_start3A_327 = arith.constant 0 : i32
    %dma_start3A_328 = arith.constant 0 : i32
    %dma_start3A_329 = tpu.memref_slice %arg3[%dma_start3A_326, %dma_start3A_327, %dma_start3A_328] : memref<24x256x256xf32, #tpu.memory_space<vmem_shared>> -> memref<1x256x256xf32, #tpu.memory_space<vmem_shared>>
    %dma_start3A_330 = arith.constant 0 : i32
    %dma_start3A_331 = arith.constant 0 : i32
    %dma_start3A_332 = tpu.memref_slice %arg1[%add3A_325, %dma_start3A_330, %dma_start3A_331] : memref<192x256x256xf32, #tpu.memory_space<hbm>> -> memref<1x256x256xf32, #tpu.memory_space<hbm>>
    tpu.enqueue_dma source(%dma_start3A_332 : memref<1x256x256xf32, #tpu.memory_space<hbm>>) target(%dma_start3A_329 : memref<1x256x256xf32, #tpu.memory_space<vmem_shared>>) target_semaphore(%arg4 : memref<!tpu.dma_semaphore, #tpu.memory_space<semaphore_mem>>)
    %add3A_333 = arith.constant 16 : i32
    %add3A_334 = arith.addi %mul3A_0, %add3A_333 : i32
    %div3A_335 = arith.constant 16 : i32
    %div3A_336 = arith.divsi %add3A_334, %div3A_335 : i32
    %mul3A_337 = arith.constant 16 : i32
    %mul3A_338 = arith.muli %mul3A_337, %div3A_336 : i32
    %sub3A_339 = arith.subi %add3A_334, %mul3A_338 : i32
    %mul3A_340 = arith.constant 64 : i32
    %mul3A_341 = arith.muli %div3A_336, %mul3A_340 : i32
    %mul3A_342 = arith.constant 63 : i32
    %mul3A_343 = arith.muli %mul3A_342, %sub3A_339 : i32
    %div3A_344 = arith.constant 15 : i32
    %div3A_345 = arith.divsi %mul3A_343, %div3A_344 : i32
    %add3A_346 = arith.addi %mul3A_341, %div3A_345 : i32
    %dma_start3A_347 = arith.constant 16 : i32
    %dma_start3A_348 = arith.constant 0 : i32
    %dma_start3A_349 = arith.constant 0 : i32
    %dma_start3A_350 = tpu.memref_slice %arg3[%dma_start3A_347, %dma_start3A_348, %dma_start3A_349] : memref<24x256x256xf32, #tpu.memory_space<vmem_shared>> -> memref<1x256x256xf32, #tpu.memory_space<vmem_shared>>
    %dma_start3A_351 = arith.constant 0 : i32
    %dma_start3A_352 = arith.constant 0 : i32
    %dma_start3A_353 = tpu.memref_slice %arg1[%add3A_346, %dma_start3A_351, %dma_start3A_352] : memref<192x256x256xf32, #tpu.memory_space<hbm>> -> memref<1x256x256xf32, #tpu.memory_space<hbm>>
    tpu.enqueue_dma source(%dma_start3A_353 : memref<1x256x256xf32, #tpu.memory_space<hbm>>) target(%dma_start3A_350 : memref<1x256x256xf32, #tpu.memory_space<vmem_shared>>) target_semaphore(%arg4 : memref<!tpu.dma_semaphore, #tpu.memory_space<semaphore_mem>>)
    %add3A_354 = arith.constant 17 : i32
    %add3A_355 = arith.addi %mul3A_0, %add3A_354 : i32
    %div3A_356 = arith.constant 16 : i32
    %div3A_357 = arith.divsi %add3A_355, %div3A_356 : i32
    %mul3A_358 = arith.constant 16 : i32
    %mul3A_359 = arith.muli %mul3A_358, %div3A_357 : i32
    %sub3A_360 = arith.subi %add3A_355, %mul3A_359 : i32
    %mul3A_361 = arith.constant 64 : i32
    %mul3A_362 = arith.muli %div3A_357, %mul3A_361 : i32
    %mul3A_363 = arith.constant 63 : i32
    %mul3A_364 = arith.muli %mul3A_363, %sub3A_360 : i32
    %div3A_365 = arith.constant 15 : i32
    %div3A_366 = arith.divsi %mul3A_364, %div3A_365 : i32
    %add3A_367 = arith.addi %mul3A_362, %div3A_366 : i32
    %dma_start3A_368 = arith.constant 17 : i32
    %dma_start3A_369 = arith.constant 0 : i32
    %dma_start3A_370 = arith.constant 0 : i32
    %dma_start3A_371 = tpu.memref_slice %arg3[%dma_start3A_368, %dma_start3A_369, %dma_start3A_370] : memref<24x256x256xf32, #tpu.memory_space<vmem_shared>> -> memref<1x256x256xf32, #tpu.memory_space<vmem_shared>>
    %dma_start3A_372 = arith.constant 0 : i32
    %dma_start3A_373 = arith.constant 0 : i32
    %dma_start3A_374 = tpu.memref_slice %arg1[%add3A_367, %dma_start3A_372, %dma_start3A_373] : memref<192x256x256xf32, #tpu.memory_space<hbm>> -> memref<1x256x256xf32, #tpu.memory_space<hbm>>
    tpu.enqueue_dma source(%dma_start3A_374 : memref<1x256x256xf32, #tpu.memory_space<hbm>>) target(%dma_start3A_371 : memref<1x256x256xf32, #tpu.memory_space<vmem_shared>>) target_semaphore(%arg4 : memref<!tpu.dma_semaphore, #tpu.memory_space<semaphore_mem>>)
    %add3A_375 = arith.constant 18 : i32
    %add3A_376 = arith.addi %mul3A_0, %add3A_375 : i32
    %div3A_377 = arith.constant 16 : i32
    %div3A_378 = arith.divsi %add3A_376, %div3A_377 : i32
    %mul3A_379 = arith.constant 16 : i32
    %mul3A_380 = arith.muli %mul3A_379, %div3A_378 : i32
    %sub3A_381 = arith.subi %add3A_376, %mul3A_380 : i32
    %mul3A_382 = arith.constant 64 : i32
    %mul3A_383 = arith.muli %div3A_378, %mul3A_382 : i32
    %mul3A_384 = arith.constant 63 : i32
    %mul3A_385 = arith.muli %mul3A_384, %sub3A_381 : i32
    %div3A_386 = arith.constant 15 : i32
    %div3A_387 = arith.divsi %mul3A_385, %div3A_386 : i32
    %add3A_388 = arith.addi %mul3A_383, %div3A_387 : i32
    %dma_start3A_389 = arith.constant 18 : i32
    %dma_start3A_390 = arith.constant 0 : i32
    %dma_start3A_391 = arith.constant 0 : i32
    %dma_start3A_392 = tpu.memref_slice %arg3[%dma_start3A_389, %dma_start3A_390, %dma_start3A_391] : memref<24x256x256xf32, #tpu.memory_space<vmem_shared>> -> memref<1x256x256xf32, #tpu.memory_space<vmem_shared>>
    %dma_start3A_393 = arith.constant 0 : i32
    %dma_start3A_394 = arith.constant 0 : i32
    %dma_start3A_395 = tpu.memref_slice %arg1[%add3A_388, %dma_start3A_393, %dma_start3A_394] : memref<192x256x256xf32, #tpu.memory_space<hbm>> -> memref<1x256x256xf32, #tpu.memory_space<hbm>>
    tpu.enqueue_dma source(%dma_start3A_395 : memref<1x256x256xf32, #tpu.memory_space<hbm>>) target(%dma_start3A_392 : memref<1x256x256xf32, #tpu.memory_space<vmem_shared>>) target_semaphore(%arg4 : memref<!tpu.dma_semaphore, #tpu.memory_space<semaphore_mem>>)
    %add3A_396 = arith.constant 19 : i32
    %add3A_397 = arith.addi %mul3A_0, %add3A_396 : i32
    %div3A_398 = arith.constant 16 : i32
    %div3A_399 = arith.divsi %add3A_397, %div3A_398 : i32
    %mul3A_400 = arith.constant 16 : i32
    %mul3A_401 = arith.muli %mul3A_400, %div3A_399 : i32
    %sub3A_402 = arith.subi %add3A_397, %mul3A_401 : i32
    %mul3A_403 = arith.constant 64 : i32
    %mul3A_404 = arith.muli %div3A_399, %mul3A_403 : i32
    %mul3A_405 = arith.constant 63 : i32
    %mul3A_406 = arith.muli %mul3A_405, %sub3A_402 : i32
    %div3A_407 = arith.constant 15 : i32
    %div3A_408 = arith.divsi %mul3A_406, %div3A_407 : i32
    %add3A_409 = arith.addi %mul3A_404, %div3A_408 : i32
    %dma_start3A_410 = arith.constant 19 : i32
    %dma_start3A_411 = arith.constant 0 : i32
    %dma_start3A_412 = arith.constant 0 : i32
    %dma_start3A_413 = tpu.memref_slice %arg3[%dma_start3A_410, %dma_start3A_411, %dma_start3A_412] : memref<24x256x256xf32, #tpu.memory_space<vmem_shared>> -> memref<1x256x256xf32, #tpu.memory_space<vmem_shared>>
    %dma_start3A_414 = arith.constant 0 : i32
    %dma_start3A_415 = arith.constant 0 : i32
    %dma_start3A_416 = tpu.memref_slice %arg1[%add3A_409, %dma_start3A_414, %dma_start3A_415] : memref<192x256x256xf32, #tpu.memory_space<hbm>> -> memref<1x256x256xf32, #tpu.memory_space<hbm>>
    tpu.enqueue_dma source(%dma_start3A_416 : memref<1x256x256xf32, #tpu.memory_space<hbm>>) target(%dma_start3A_413 : memref<1x256x256xf32, #tpu.memory_space<vmem_shared>>) target_semaphore(%arg4 : memref<!tpu.dma_semaphore, #tpu.memory_space<semaphore_mem>>)
    %add3A_417 = arith.constant 20 : i32
    %add3A_418 = arith.addi %mul3A_0, %add3A_417 : i32
    %div3A_419 = arith.constant 16 : i32
    %div3A_420 = arith.divsi %add3A_418, %div3A_419 : i32
    %mul3A_421 = arith.constant 16 : i32
    %mul3A_422 = arith.muli %mul3A_421, %div3A_420 : i32
    %sub3A_423 = arith.subi %add3A_418, %mul3A_422 : i32
    %mul3A_424 = arith.constant 64 : i32
    %mul3A_425 = arith.muli %div3A_420, %mul3A_424 : i32
    %mul3A_426 = arith.constant 63 : i32
    %mul3A_427 = arith.muli %mul3A_426, %sub3A_423 : i32
    %div3A_428 = arith.constant 15 : i32
    %div3A_429 = arith.divsi %mul3A_427, %div3A_428 : i32
    %add3A_430 = arith.addi %mul3A_425, %div3A_429 : i32
    %dma_start3A_431 = arith.constant 20 : i32
    %dma_start3A_432 = arith.constant 0 : i32
    %dma_start3A_433 = arith.constant 0 : i32
    %dma_start3A_434 = tpu.memref_slice %arg3[%dma_start3A_431, %dma_start3A_432, %dma_start3A_433] : memref<24x256x256xf32, #tpu.memory_space<vmem_shared>> -> memref<1x256x256xf32, #tpu.memory_space<vmem_shared>>
    %dma_start3A_435 = arith.constant 0 : i32
    %dma_start3A_436 = arith.constant 0 : i32
    %dma_start3A_437 = tpu.memref_slice %arg1[%add3A_430, %dma_start3A_435, %dma_start3A_436] : memref<192x256x256xf32, #tpu.memory_space<hbm>> -> memref<1x256x256xf32, #tpu.memory_space<hbm>>
    tpu.enqueue_dma source(%dma_start3A_437 : memref<1x256x256xf32, #tpu.memory_space<hbm>>) target(%dma_start3A_434 : memref<1x256x256xf32, #tpu.memory_space<vmem_shared>>) target_semaphore(%arg4 : memref<!tpu.dma_semaphore, #tpu.memory_space<semaphore_mem>>)
    %add3A_438 = arith.constant 21 : i32
    %add3A_439 = arith.addi %mul3A_0, %add3A_438 : i32
    %div3A_440 = arith.constant 16 : i32
    %div3A_441 = arith.divsi %add3A_439, %div3A_440 : i32
    %mul3A_442 = arith.constant 16 : i32
    %mul3A_443 = arith.muli %mul3A_442, %div3A_441 : i32
    %sub3A_444 = arith.subi %add3A_439, %mul3A_443 : i32
    %mul3A_445 = arith.constant 64 : i32
    %mul3A_446 = arith.muli %div3A_441, %mul3A_445 : i32
    %mul3A_447 = arith.constant 63 : i32
    %mul3A_448 = arith.muli %mul3A_447, %sub3A_444 : i32
    %div3A_449 = arith.constant 15 : i32
    %div3A_450 = arith.divsi %mul3A_448, %div3A_449 : i32
    %add3A_451 = arith.addi %mul3A_446, %div3A_450 : i32
    %dma_start3A_452 = arith.constant 21 : i32
    %dma_start3A_453 = arith.constant 0 : i32
    %dma_start3A_454 = arith.constant 0 : i32
    %dma_start3A_455 = tpu.memref_slice %arg3[%dma_start3A_452, %dma_start3A_453, %dma_start3A_454] : memref<24x256x256xf32, #tpu.memory_space<vmem_shared>> -> memref<1x256x256xf32, #tpu.memory_space<vmem_shared>>
    %dma_start3A_456 = arith.constant 0 : i32
    %dma_start3A_457 = arith.constant 0 : i32
    %dma_start3A_458 = tpu.memref_slice %arg1[%add3A_451, %dma_start3A_456, %dma_start3A_457] : memref<192x256x256xf32, #tpu.memory_space<hbm>> -> memref<1x256x256xf32, #tpu.memory_space<hbm>>
    tpu.enqueue_dma source(%dma_start3A_458 : memref<1x256x256xf32, #tpu.memory_space<hbm>>) target(%dma_start3A_455 : memref<1x256x256xf32, #tpu.memory_space<vmem_shared>>) target_semaphore(%arg4 : memref<!tpu.dma_semaphore, #tpu.memory_space<semaphore_mem>>)
    %add3A_459 = arith.constant 22 : i32
    %add3A_460 = arith.addi %mul3A_0, %add3A_459 : i32
    %div3A_461 = arith.constant 16 : i32
    %div3A_462 = arith.divsi %add3A_460, %div3A_461 : i32
    %mul3A_463 = arith.constant 16 : i32
    %mul3A_464 = arith.muli %mul3A_463, %div3A_462 : i32
    %sub3A_465 = arith.subi %add3A_460, %mul3A_464 : i32
    %mul3A_466 = arith.constant 64 : i32
    %mul3A_467 = arith.muli %div3A_462, %mul3A_466 : i32
    %mul3A_468 = arith.constant 63 : i32
    %mul3A_469 = arith.muli %mul3A_468, %sub3A_465 : i32
    %div3A_470 = arith.constant 15 : i32
    %div3A_471 = arith.divsi %mul3A_469, %div3A_470 : i32
    %add3A_472 = arith.addi %mul3A_467, %div3A_471 : i32
    %dma_start3A_473 = arith.constant 22 : i32
    %dma_start3A_474 = arith.constant 0 : i32
    %dma_start3A_475 = arith.constant 0 : i32
    %dma_start3A_476 = tpu.memref_slice %arg3[%dma_start3A_473, %dma_start3A_474, %dma_start3A_475] : memref<24x256x256xf32, #tpu.memory_space<vmem_shared>> -> memref<1x256x256xf32, #tpu.memory_space<vmem_shared>>
    %dma_start3A_477 = arith.constant 0 : i32
    %dma_start3A_478 = arith.constant 0 : i32
    %dma_start3A_479 = tpu.memref_slice %arg1[%add3A_472, %dma_start3A_477, %dma_start3A_478] : memref<192x256x256xf32, #tpu.memory_space<hbm>> -> memref<1x256x256xf32, #tpu.memory_space<hbm>>
    tpu.enqueue_dma source(%dma_start3A_479 : memref<1x256x256xf32, #tpu.memory_space<hbm>>) target(%dma_start3A_476 : memref<1x256x256xf32, #tpu.memory_space<vmem_shared>>) target_semaphore(%arg4 : memref<!tpu.dma_semaphore, #tpu.memory_space<semaphore_mem>>)
    %add3A_480 = arith.constant 23 : i32
    %add3A_481 = arith.addi %mul3A_0, %add3A_480 : i32
    %div3A_482 = arith.constant 16 : i32
    %div3A_483 = arith.divsi %add3A_481, %div3A_482 : i32
    %mul3A_484 = arith.constant 16 : i32
    %mul3A_485 = arith.muli %mul3A_484, %div3A_483 : i32
    %sub3A_486 = arith.subi %add3A_481, %mul3A_485 : i32
    %mul3A_487 = arith.constant 64 : i32
    %mul3A_488 = arith.muli %div3A_483, %mul3A_487 : i32
    %mul3A_489 = arith.constant 63 : i32
    %mul3A_490 = arith.muli %mul3A_489, %sub3A_486 : i32
    %div3A_491 = arith.constant 15 : i32
    %div3A_492 = arith.divsi %mul3A_490, %div3A_491 : i32
    %add3A_493 = arith.addi %mul3A_488, %div3A_492 : i32
    %dma_start3A_494 = arith.constant 23 : i32
    %dma_start3A_495 = arith.constant 0 : i32
    %dma_start3A_496 = arith.constant 0 : i32
    %dma_start3A_497 = tpu.memref_slice %arg3[%dma_start3A_494, %dma_start3A_495, %dma_start3A_496] : memref<24x256x256xf32, #tpu.memory_space<vmem_shared>> -> memref<1x256x256xf32, #tpu.memory_space<vmem_shared>>
    %dma_start3A_498 = arith.constant 0 : i32
    %dma_start3A_499 = arith.constant 0 : i32
    %dma_start3A_500 = tpu.memref_slice %arg1[%add3A_493, %dma_start3A_498, %dma_start3A_499] : memref<192x256x256xf32, #tpu.memory_space<hbm>> -> memref<1x256x256xf32, #tpu.memory_space<hbm>>
    tpu.enqueue_dma source(%dma_start3A_500 : memref<1x256x256xf32, #tpu.memory_space<hbm>>) target(%dma_start3A_497 : memref<1x256x256xf32, #tpu.memory_space<vmem_shared>>) target_semaphore(%arg4 : memref<!tpu.dma_semaphore, #tpu.memory_space<semaphore_mem>>)
    %dma_wait3A = arith.constant 0 : i32
    %dma_wait3A_501 = arith.constant 0 : i32
    %dma_wait3A_502 = arith.constant 0 : i32
    %dma_wait3A_503 = tpu.memref_slice %arg3[%dma_wait3A, %dma_wait3A_501, %dma_wait3A_502] : memref<24x256x256xf32, #tpu.memory_space<vmem_shared>> -> memref<1x256x256xf32, #tpu.memory_space<vmem_shared>>
    %dma_wait3A_504 = arith.constant 0 : i32
    %dma_wait3A_505 = arith.constant 0 : i32
    %dma_wait3A_506 = tpu.memref_slice %arg1[%add3A_11, %dma_wait3A_504, %dma_wait3A_505] : memref<192x256x256xf32, #tpu.memory_space<hbm>> -> memref<1x256x256xf32, #tpu.memory_space<hbm>>
    tpu.wait_dma2 semaphore(%arg4 : memref<!tpu.dma_semaphore, #tpu.memory_space<semaphore_mem>>) src(%dma_wait3A_506 : memref<1x256x256xf32, #tpu.memory_space<hbm>>) dst(%dma_wait3A_503 : memref<1x256x256xf32, #tpu.memory_space<vmem_shared>>)
    %dma_wait3A_507 = arith.constant 1 : i32
    %dma_wait3A_508 = arith.constant 0 : i32
    %dma_wait3A_509 = arith.constant 0 : i32
    %dma_wait3A_510 = tpu.memref_slice %arg3[%dma_wait3A_507, %dma_wait3A_508, %dma_wait3A_509] : memref<24x256x256xf32, #tpu.memory_space<vmem_shared>> -> memref<1x256x256xf32, #tpu.memory_space<vmem_shared>>
    %dma_wait3A_511 = arith.constant 0 : i32
    %dma_wait3A_512 = arith.constant 0 : i32
    %dma_wait3A_513 = tpu.memref_slice %arg1[%add3A_31, %dma_wait3A_511, %dma_wait3A_512] : memref<192x256x256xf32, #tpu.memory_space<hbm>> -> memref<1x256x256xf32, #tpu.memory_space<hbm>>
    tpu.wait_dma2 semaphore(%arg4 : memref<!tpu.dma_semaphore, #tpu.memory_space<semaphore_mem>>) src(%dma_wait3A_513 : memref<1x256x256xf32, #tpu.memory_space<hbm>>) dst(%dma_wait3A_510 : memref<1x256x256xf32, #tpu.memory_space<vmem_shared>>)
    %dma_wait3A_514 = arith.constant 2 : i32
    %dma_wait3A_515 = arith.constant 0 : i32
    %dma_wait3A_516 = arith.constant 0 : i32
    %dma_wait3A_517 = tpu.memref_slice %arg3[%dma_wait3A_514, %dma_wait3A_515, %dma_wait3A_516] : memref<24x256x256xf32, #tpu.memory_space<vmem_shared>> -> memref<1x256x256xf32, #tpu.memory_space<vmem_shared>>
    %dma_wait3A_518 = arith.constant 0 : i32
    %dma_wait3A_519 = arith.constant 0 : i32
    %dma_wait3A_520 = tpu.memref_slice %arg1[%add3A_52, %dma_wait3A_518, %dma_wait3A_519] : memref<192x256x256xf32, #tpu.memory_space<hbm>> -> memref<1x256x256xf32, #tpu.memory_space<hbm>>
    tpu.wait_dma2 semaphore(%arg4 : memref<!tpu.dma_semaphore, #tpu.memory_space<semaphore_mem>>) src(%dma_wait3A_520 : memref<1x256x256xf32, #tpu.memory_space<hbm>>) dst(%dma_wait3A_517 : memref<1x256x256xf32, #tpu.memory_space<vmem_shared>>)
    %dma_wait3A_521 = arith.constant 3 : i32
    %dma_wait3A_522 = arith.constant 0 : i32
    %dma_wait3A_523 = arith.constant 0 : i32
    %dma_wait3A_524 = tpu.memref_slice %arg3[%dma_wait3A_521, %dma_wait3A_522, %dma_wait3A_523] : memref<24x256x256xf32, #tpu.memory_space<vmem_shared>> -> memref<1x256x256xf32, #tpu.memory_space<vmem_shared>>
    %dma_wait3A_525 = arith.constant 0 : i32
    %dma_wait3A_526 = arith.constant 0 : i32
    %dma_wait3A_527 = tpu.memref_slice %arg1[%add3A_73, %dma_wait3A_525, %dma_wait3A_526] : memref<192x256x256xf32, #tpu.memory_space<hbm>> -> memref<1x256x256xf32, #tpu.memory_space<hbm>>
    tpu.wait_dma2 semaphore(%arg4 : memref<!tpu.dma_semaphore, #tpu.memory_space<semaphore_mem>>) src(%dma_wait3A_527 : memref<1x256x256xf32, #tpu.memory_space<hbm>>) dst(%dma_wait3A_524 : memref<1x256x256xf32, #tpu.memory_space<vmem_shared>>)
    %dma_wait3A_528 = arith.constant 4 : i32
    %dma_wait3A_529 = arith.constant 0 : i32
    %dma_wait3A_530 = arith.constant 0 : i32
    %dma_wait3A_531 = tpu.memref_slice %arg3[%dma_wait3A_528, %dma_wait3A_529, %dma_wait3A_530] : memref<24x256x256xf32, #tpu.memory_space<vmem_shared>> -> memref<1x256x256xf32, #tpu.memory_space<vmem_shared>>
    %dma_wait3A_532 = arith.constant 0 : i32
    %dma_wait3A_533 = arith.constant 0 : i32
    %dma_wait3A_534 = tpu.memref_slice %arg1[%add3A_94, %dma_wait3A_532, %dma_wait3A_533] : memref<192x256x256xf32, #tpu.memory_space<hbm>> -> memref<1x256x256xf32, #tpu.memory_space<hbm>>
    tpu.wait_dma2 semaphore(%arg4 : memref<!tpu.dma_semaphore, #tpu.memory_space<semaphore_mem>>) src(%dma_wait3A_534 : memref<1x256x256xf32, #tpu.memory_space<hbm>>) dst(%dma_wait3A_531 : memref<1x256x256xf32, #tpu.memory_space<vmem_shared>>)
    %dma_wait3A_535 = arith.constant 5 : i32
    %dma_wait3A_536 = arith.constant 0 : i32
    %dma_wait3A_537 = arith.constant 0 : i32
    %dma_wait3A_538 = tpu.memref_slice %arg3[%dma_wait3A_535, %dma_wait3A_536, %dma_wait3A_537] : memref<24x256x256xf32, #tpu.memory_space<vmem_shared>> -> memref<1x256x256xf32, #tpu.memory_space<vmem_shared>>
    %dma_wait3A_539 = arith.constant 0 : i32
    %dma_wait3A_540 = arith.constant 0 : i32
    %dma_wait3A_541 = tpu.memref_slice %arg1[%add3A_115, %dma_wait3A_539, %dma_wait3A_540] : memref<192x256x256xf32, #tpu.memory_space<hbm>> -> memref<1x256x256xf32, #tpu.memory_space<hbm>>
    tpu.wait_dma2 semaphore(%arg4 : memref<!tpu.dma_semaphore, #tpu.memory_space<semaphore_mem>>) src(%dma_wait3A_541 : memref<1x256x256xf32, #tpu.memory_space<hbm>>) dst(%dma_wait3A_538 : memref<1x256x256xf32, #tpu.memory_space<vmem_shared>>)
    %dma_wait3A_542 = arith.constant 6 : i32
    %dma_wait3A_543 = arith.constant 0 : i32
    %dma_wait3A_544 = arith.constant 0 : i32
    %dma_wait3A_545 = tpu.memref_slice %arg3[%dma_wait3A_542, %dma_wait3A_543, %dma_wait3A_544] : memref<24x256x256xf32, #tpu.memory_space<vmem_shared>> -> memref<1x256x256xf32, #tpu.memory_space<vmem_shared>>
    %dma_wait3A_546 = arith.constant 0 : i32
    %dma_wait3A_547 = arith.constant 0 : i32
    %dma_wait3A_548 = tpu.memref_slice %arg1[%add3A_136, %dma_wait3A_546, %dma_wait3A_547] : memref<192x256x256xf32, #tpu.memory_space<hbm>> -> memref<1x256x256xf32, #tpu.memory_space<hbm>>
    tpu.wait_dma2 semaphore(%arg4 : memref<!tpu.dma_semaphore, #tpu.memory_space<semaphore_mem>>) src(%dma_wait3A_548 : memref<1x256x256xf32, #tpu.memory_space<hbm>>) dst(%dma_wait3A_545 : memref<1x256x256xf32, #tpu.memory_space<vmem_shared>>)
    %dma_wait3A_549 = arith.constant 7 : i32
    %dma_wait3A_550 = arith.constant 0 : i32
    %dma_wait3A_551 = arith.constant 0 : i32
    %dma_wait3A_552 = tpu.memref_slice %arg3[%dma_wait3A_549, %dma_wait3A_550, %dma_wait3A_551] : memref<24x256x256xf32, #tpu.memory_space<vmem_shared>> -> memref<1x256x256xf32, #tpu.memory_space<vmem_shared>>
    %dma_wait3A_553 = arith.constant 0 : i32
    %dma_wait3A_554 = arith.constant 0 : i32
    %dma_wait3A_555 = tpu.memref_slice %arg1[%add3A_157, %dma_wait3A_553, %dma_wait3A_554] : memref<192x256x256xf32, #tpu.memory_space<hbm>> -> memref<1x256x256xf32, #tpu.memory_space<hbm>>
    tpu.wait_dma2 semaphore(%arg4 : memref<!tpu.dma_semaphore, #tpu.memory_space<semaphore_mem>>) src(%dma_wait3A_555 : memref<1x256x256xf32, #tpu.memory_space<hbm>>) dst(%dma_wait3A_552 : memref<1x256x256xf32, #tpu.memory_space<vmem_shared>>)
    %dma_wait3A_556 = arith.constant 8 : i32
    %dma_wait3A_557 = arith.constant 0 : i32
    %dma_wait3A_558 = arith.constant 0 : i32
    %dma_wait3A_559 = tpu.memref_slice %arg3[%dma_wait3A_556, %dma_wait3A_557, %dma_wait3A_558] : memref<24x256x256xf32, #tpu.memory_space<vmem_shared>> -> memref<1x256x256xf32, #tpu.memory_space<vmem_shared>>
    %dma_wait3A_560 = arith.constant 0 : i32
    %dma_wait3A_561 = arith.constant 0 : i32
    %dma_wait3A_562 = tpu.memref_slice %arg1[%add3A_178, %dma_wait3A_560, %dma_wait3A_561] : memref<192x256x256xf32, #tpu.memory_space<hbm>> -> memref<1x256x256xf32, #tpu.memory_space<hbm>>
    tpu.wait_dma2 semaphore(%arg4 : memref<!tpu.dma_semaphore, #tpu.memory_space<semaphore_mem>>) src(%dma_wait3A_562 : memref<1x256x256xf32, #tpu.memory_space<hbm>>) dst(%dma_wait3A_559 : memref<1x256x256xf32, #tpu.memory_space<vmem_shared>>)
    %dma_wait3A_563 = arith.constant 9 : i32
    %dma_wait3A_564 = arith.constant 0 : i32
    %dma_wait3A_565 = arith.constant 0 : i32
    %dma_wait3A_566 = tpu.memref_slice %arg3[%dma_wait3A_563, %dma_wait3A_564, %dma_wait3A_565] : memref<24x256x256xf32, #tpu.memory_space<vmem_shared>> -> memref<1x256x256xf32, #tpu.memory_space<vmem_shared>>
    %dma_wait3A_567 = arith.constant 0 : i32
    %dma_wait3A_568 = arith.constant 0 : i32
    %dma_wait3A_569 = tpu.memref_slice %arg1[%add3A_199, %dma_wait3A_567, %dma_wait3A_568] : memref<192x256x256xf32, #tpu.memory_space<hbm>> -> memref<1x256x256xf32, #tpu.memory_space<hbm>>
    tpu.wait_dma2 semaphore(%arg4 : memref<!tpu.dma_semaphore, #tpu.memory_space<semaphore_mem>>) src(%dma_wait3A_569 : memref<1x256x256xf32, #tpu.memory_space<hbm>>) dst(%dma_wait3A_566 : memref<1x256x256xf32, #tpu.memory_space<vmem_shared>>)
    %dma_wait3A_570 = arith.constant 10 : i32
    %dma_wait3A_571 = arith.constant 0 : i32
    %dma_wait3A_572 = arith.constant 0 : i32
    %dma_wait3A_573 = tpu.memref_slice %arg3[%dma_wait3A_570, %dma_wait3A_571, %dma_wait3A_572] : memref<24x256x256xf32, #tpu.memory_space<vmem_shared>> -> memref<1x256x256xf32, #tpu.memory_space<vmem_shared>>
    %dma_wait3A_574 = arith.constant 0 : i32
    %dma_wait3A_575 = arith.constant 0 : i32
    %dma_wait3A_576 = tpu.memref_slice %arg1[%add3A_220, %dma_wait3A_574, %dma_wait3A_575] : memref<192x256x256xf32, #tpu.memory_space<hbm>> -> memref<1x256x256xf32, #tpu.memory_space<hbm>>
    tpu.wait_dma2 semaphore(%arg4 : memref<!tpu.dma_semaphore, #tpu.memory_space<semaphore_mem>>) src(%dma_wait3A_576 : memref<1x256x256xf32, #tpu.memory_space<hbm>>) dst(%dma_wait3A_573 : memref<1x256x256xf32, #tpu.memory_space<vmem_shared>>)
    %dma_wait3A_577 = arith.constant 11 : i32
    %dma_wait3A_578 = arith.constant 0 : i32
    %dma_wait3A_579 = arith.constant 0 : i32
    %dma_wait3A_580 = tpu.memref_slice %arg3[%dma_wait3A_577, %dma_wait3A_578, %dma_wait3A_579] : memref<24x256x256xf32, #tpu.memory_space<vmem_shared>> -> memref<1x256x256xf32, #tpu.memory_space<vmem_shared>>
    %dma_wait3A_581 = arith.constant 0 : i32
    %dma_wait3A_582 = arith.constant 0 : i32
    %dma_wait3A_583 = tpu.memref_slice %arg1[%add3A_241, %dma_wait3A_581, %dma_wait3A_582] : memref<192x256x256xf32, #tpu.memory_space<hbm>> -> memref<1x256x256xf32, #tpu.memory_space<hbm>>
    tpu.wait_dma2 semaphore(%arg4 : memref<!tpu.dma_semaphore, #tpu.memory_space<semaphore_mem>>) src(%dma_wait3A_583 : memref<1x256x256xf32, #tpu.memory_space<hbm>>) dst(%dma_wait3A_580 : memref<1x256x256xf32, #tpu.memory_space<vmem_shared>>)
    %dma_wait3A_584 = arith.constant 12 : i32
    %dma_wait3A_585 = arith.constant 0 : i32
    %dma_wait3A_586 = arith.constant 0 : i32
    %dma_wait3A_587 = tpu.memref_slice %arg3[%dma_wait3A_584, %dma_wait3A_585, %dma_wait3A_586] : memref<24x256x256xf32, #tpu.memory_space<vmem_shared>> -> memref<1x256x256xf32, #tpu.memory_space<vmem_shared>>
    %dma_wait3A_588 = arith.constant 0 : i32
    %dma_wait3A_589 = arith.constant 0 : i32
    %dma_wait3A_590 = tpu.memref_slice %arg1[%add3A_262, %dma_wait3A_588, %dma_wait3A_589] : memref<192x256x256xf32, #tpu.memory_space<hbm>> -> memref<1x256x256xf32, #tpu.memory_space<hbm>>
    tpu.wait_dma2 semaphore(%arg4 : memref<!tpu.dma_semaphore, #tpu.memory_space<semaphore_mem>>) src(%dma_wait3A_590 : memref<1x256x256xf32, #tpu.memory_space<hbm>>) dst(%dma_wait3A_587 : memref<1x256x256xf32, #tpu.memory_space<vmem_shared>>)
    %dma_wait3A_591 = arith.constant 13 : i32
    %dma_wait3A_592 = arith.constant 0 : i32
    %dma_wait3A_593 = arith.constant 0 : i32
    %dma_wait3A_594 = tpu.memref_slice %arg3[%dma_wait3A_591, %dma_wait3A_592, %dma_wait3A_593] : memref<24x256x256xf32, #tpu.memory_space<vmem_shared>> -> memref<1x256x256xf32, #tpu.memory_space<vmem_shared>>
    %dma_wait3A_595 = arith.constant 0 : i32
    %dma_wait3A_596 = arith.constant 0 : i32
    %dma_wait3A_597 = tpu.memref_slice %arg1[%add3A_283, %dma_wait3A_595, %dma_wait3A_596] : memref<192x256x256xf32, #tpu.memory_space<hbm>> -> memref<1x256x256xf32, #tpu.memory_space<hbm>>
    tpu.wait_dma2 semaphore(%arg4 : memref<!tpu.dma_semaphore, #tpu.memory_space<semaphore_mem>>) src(%dma_wait3A_597 : memref<1x256x256xf32, #tpu.memory_space<hbm>>) dst(%dma_wait3A_594 : memref<1x256x256xf32, #tpu.memory_space<vmem_shared>>)
    %dma_wait3A_598 = arith.constant 14 : i32
    %dma_wait3A_599 = arith.constant 0 : i32
    %dma_wait3A_600 = arith.constant 0 : i32
    %dma_wait3A_601 = tpu.memref_slice %arg3[%dma_wait3A_598, %dma_wait3A_599, %dma_wait3A_600] : memref<24x256x256xf32, #tpu.memory_space<vmem_shared>> -> memref<1x256x256xf32, #tpu.memory_space<vmem_shared>>
    %dma_wait3A_602 = arith.constant 0 : i32
    %dma_wait3A_603 = arith.constant 0 : i32
    %dma_wait3A_604 = tpu.memref_slice %arg1[%add3A_304, %dma_wait3A_602, %dma_wait3A_603] : memref<192x256x256xf32, #tpu.memory_space<hbm>> -> memref<1x256x256xf32, #tpu.memory_space<hbm>>
    tpu.wait_dma2 semaphore(%arg4 : memref<!tpu.dma_semaphore, #tpu.memory_space<semaphore_mem>>) src(%dma_wait3A_604 : memref<1x256x256xf32, #tpu.memory_space<hbm>>) dst(%dma_wait3A_601 : memref<1x256x256xf32, #tpu.memory_space<vmem_shared>>)
    %dma_wait3A_605 = arith.constant 15 : i32
    %dma_wait3A_606 = arith.constant 0 : i32
    %dma_wait3A_607 = arith.constant 0 : i32
    %dma_wait3A_608 = tpu.memref_slice %arg3[%dma_wait3A_605, %dma_wait3A_606, %dma_wait3A_607] : memref<24x256x256xf32, #tpu.memory_space<vmem_shared>> -> memref<1x256x256xf32, #tpu.memory_space<vmem_shared>>
    %dma_wait3A_609 = arith.constant 0 : i32
    %dma_wait3A_610 = arith.constant 0 : i32
    %dma_wait3A_611 = tpu.memref_slice %arg1[%add3A_325, %dma_wait3A_609, %dma_wait3A_610] : memref<192x256x256xf32, #tpu.memory_space<hbm>> -> memref<1x256x256xf32, #tpu.memory_space<hbm>>
    tpu.wait_dma2 semaphore(%arg4 : memref<!tpu.dma_semaphore, #tpu.memory_space<semaphore_mem>>) src(%dma_wait3A_611 : memref<1x256x256xf32, #tpu.memory_space<hbm>>) dst(%dma_wait3A_608 : memref<1x256x256xf32, #tpu.memory_space<vmem_shared>>)
    %dma_wait3A_612 = arith.constant 16 : i32
    %dma_wait3A_613 = arith.constant 0 : i32
    %dma_wait3A_614 = arith.constant 0 : i32
    %dma_wait3A_615 = tpu.memref_slice %arg3[%dma_wait3A_612, %dma_wait3A_613, %dma_wait3A_614] : memref<24x256x256xf32, #tpu.memory_space<vmem_shared>> -> memref<1x256x256xf32, #tpu.memory_space<vmem_shared>>
    %dma_wait3A_616 = arith.constant 0 : i32
    %dma_wait3A_617 = arith.constant 0 : i32
    %dma_wait3A_618 = tpu.memref_slice %arg1[%add3A_346, %dma_wait3A_616, %dma_wait3A_617] : memref<192x256x256xf32, #tpu.memory_space<hbm>> -> memref<1x256x256xf32, #tpu.memory_space<hbm>>
    tpu.wait_dma2 semaphore(%arg4 : memref<!tpu.dma_semaphore, #tpu.memory_space<semaphore_mem>>) src(%dma_wait3A_618 : memref<1x256x256xf32, #tpu.memory_space<hbm>>) dst(%dma_wait3A_615 : memref<1x256x256xf32, #tpu.memory_space<vmem_shared>>)
    %dma_wait3A_619 = arith.constant 17 : i32
    %dma_wait3A_620 = arith.constant 0 : i32
    %dma_wait3A_621 = arith.constant 0 : i32
    %dma_wait3A_622 = tpu.memref_slice %arg3[%dma_wait3A_619, %dma_wait3A_620, %dma_wait3A_621] : memref<24x256x256xf32, #tpu.memory_space<vmem_shared>> -> memref<1x256x256xf32, #tpu.memory_space<vmem_shared>>
    %dma_wait3A_623 = arith.constant 0 : i32
    %dma_wait3A_624 = arith.constant 0 : i32
    %dma_wait3A_625 = tpu.memref_slice %arg1[%add3A_367, %dma_wait3A_623, %dma_wait3A_624] : memref<192x256x256xf32, #tpu.memory_space<hbm>> -> memref<1x256x256xf32, #tpu.memory_space<hbm>>
    tpu.wait_dma2 semaphore(%arg4 : memref<!tpu.dma_semaphore, #tpu.memory_space<semaphore_mem>>) src(%dma_wait3A_625 : memref<1x256x256xf32, #tpu.memory_space<hbm>>) dst(%dma_wait3A_622 : memref<1x256x256xf32, #tpu.memory_space<vmem_shared>>)
    %dma_wait3A_626 = arith.constant 18 : i32
    %dma_wait3A_627 = arith.constant 0 : i32
    %dma_wait3A_628 = arith.constant 0 : i32
    %dma_wait3A_629 = tpu.memref_slice %arg3[%dma_wait3A_626, %dma_wait3A_627, %dma_wait3A_628] : memref<24x256x256xf32, #tpu.memory_space<vmem_shared>> -> memref<1x256x256xf32, #tpu.memory_space<vmem_shared>>
    %dma_wait3A_630 = arith.constant 0 : i32
    %dma_wait3A_631 = arith.constant 0 : i32
    %dma_wait3A_632 = tpu.memref_slice %arg1[%add3A_388, %dma_wait3A_630, %dma_wait3A_631] : memref<192x256x256xf32, #tpu.memory_space<hbm>> -> memref<1x256x256xf32, #tpu.memory_space<hbm>>
    tpu.wait_dma2 semaphore(%arg4 : memref<!tpu.dma_semaphore, #tpu.memory_space<semaphore_mem>>) src(%dma_wait3A_632 : memref<1x256x256xf32, #tpu.memory_space<hbm>>) dst(%dma_wait3A_629 : memref<1x256x256xf32, #tpu.memory_space<vmem_shared>>)
    %dma_wait3A_633 = arith.constant 19 : i32
    %dma_wait3A_634 = arith.constant 0 : i32
    %dma_wait3A_635 = arith.constant 0 : i32
    %dma_wait3A_636 = tpu.memref_slice %arg3[%dma_wait3A_633, %dma_wait3A_634, %dma_wait3A_635] : memref<24x256x256xf32, #tpu.memory_space<vmem_shared>> -> memref<1x256x256xf32, #tpu.memory_space<vmem_shared>>
    %dma_wait3A_637 = arith.constant 0 : i32
    %dma_wait3A_638 = arith.constant 0 : i32
    %dma_wait3A_639 = tpu.memref_slice %arg1[%add3A_409, %dma_wait3A_637, %dma_wait3A_638] : memref<192x256x256xf32, #tpu.memory_space<hbm>> -> memref<1x256x256xf32, #tpu.memory_space<hbm>>
    tpu.wait_dma2 semaphore(%arg4 : memref<!tpu.dma_semaphore, #tpu.memory_space<semaphore_mem>>) src(%dma_wait3A_639 : memref<1x256x256xf32, #tpu.memory_space<hbm>>) dst(%dma_wait3A_636 : memref<1x256x256xf32, #tpu.memory_space<vmem_shared>>)
    %dma_wait3A_640 = arith.constant 20 : i32
    %dma_wait3A_641 = arith.constant 0 : i32
    %dma_wait3A_642 = arith.constant 0 : i32
    %dma_wait3A_643 = tpu.memref_slice %arg3[%dma_wait3A_640, %dma_wait3A_641, %dma_wait3A_642] : memref<24x256x256xf32, #tpu.memory_space<vmem_shared>> -> memref<1x256x256xf32, #tpu.memory_space<vmem_shared>>
    %dma_wait3A_644 = arith.constant 0 : i32
    %dma_wait3A_645 = arith.constant 0 : i32
    %dma_wait3A_646 = tpu.memref_slice %arg1[%add3A_430, %dma_wait3A_644, %dma_wait3A_645] : memref<192x256x256xf32, #tpu.memory_space<hbm>> -> memref<1x256x256xf32, #tpu.memory_space<hbm>>
    tpu.wait_dma2 semaphore(%arg4 : memref<!tpu.dma_semaphore, #tpu.memory_space<semaphore_mem>>) src(%dma_wait3A_646 : memref<1x256x256xf32, #tpu.memory_space<hbm>>) dst(%dma_wait3A_643 : memref<1x256x256xf32, #tpu.memory_space<vmem_shared>>)
    %dma_wait3A_647 = arith.constant 21 : i32
    %dma_wait3A_648 = arith.constant 0 : i32
    %dma_wait3A_649 = arith.constant 0 : i32
    %dma_wait3A_650 = tpu.memref_slice %arg3[%dma_wait3A_647, %dma_wait3A_648, %dma_wait3A_649] : memref<24x256x256xf32, #tpu.memory_space<vmem_shared>> -> memref<1x256x256xf32, #tpu.memory_space<vmem_shared>>
    %dma_wait3A_651 = arith.constant 0 : i32
    %dma_wait3A_652 = arith.constant 0 : i32
    %dma_wait3A_653 = tpu.memref_slice %arg1[%add3A_451, %dma_wait3A_651, %dma_wait3A_652] : memref<192x256x256xf32, #tpu.memory_space<hbm>> -> memref<1x256x256xf32, #tpu.memory_space<hbm>>
    tpu.wait_dma2 semaphore(%arg4 : memref<!tpu.dma_semaphore, #tpu.memory_space<semaphore_mem>>) src(%dma_wait3A_653 : memref<1x256x256xf32, #tpu.memory_space<hbm>>) dst(%dma_wait3A_650 : memref<1x256x256xf32, #tpu.memory_space<vmem_shared>>)
    %dma_wait3A_654 = arith.constant 22 : i32
    %dma_wait3A_655 = arith.constant 0 : i32
    %dma_wait3A_656 = arith.constant 0 : i32
    %dma_wait3A_657 = tpu.memref_slice %arg3[%dma_wait3A_654, %dma_wait3A_655, %dma_wait3A_656] : memref<24x256x256xf32, #tpu.memory_space<vmem_shared>> -> memref<1x256x256xf32, #tpu.memory_space<vmem_shared>>
    %dma_wait3A_658 = arith.constant 0 : i32
    %dma_wait3A_659 = arith.constant 0 : i32
    %dma_wait3A_660 = tpu.memref_slice %arg1[%add3A_472, %dma_wait3A_658, %dma_wait3A_659] : memref<192x256x256xf32, #tpu.memory_space<hbm>> -> memref<1x256x256xf32, #tpu.memory_space<hbm>>
    tpu.wait_dma2 semaphore(%arg4 : memref<!tpu.dma_semaphore, #tpu.memory_space<semaphore_mem>>) src(%dma_wait3A_660 : memref<1x256x256xf32, #tpu.memory_space<hbm>>) dst(%dma_wait3A_657 : memref<1x256x256xf32, #tpu.memory_space<vmem_shared>>)
    %dma_wait3A_661 = arith.constant 23 : i32
    %dma_wait3A_662 = arith.constant 0 : i32
    %dma_wait3A_663 = arith.constant 0 : i32
    %dma_wait3A_664 = tpu.memref_slice %arg3[%dma_wait3A_661, %dma_wait3A_662, %dma_wait3A_663] : memref<24x256x256xf32, #tpu.memory_space<vmem_shared>> -> memref<1x256x256xf32, #tpu.memory_space<vmem_shared>>
    %dma_wait3A_665 = arith.constant 0 : i32
    %dma_wait3A_666 = arith.constant 0 : i32
    %dma_wait3A_667 = tpu.memref_slice %arg1[%add3A_493, %dma_wait3A_665, %dma_wait3A_666] : memref<192x256x256xf32, #tpu.memory_space<hbm>> -> memref<1x256x256xf32, #tpu.memory_space<hbm>>
    tpu.wait_dma2 semaphore(%arg4 : memref<!tpu.dma_semaphore, #tpu.memory_space<semaphore_mem>>) src(%dma_wait3A_667 : memref<1x256x256xf32, #tpu.memory_space<hbm>>) dst(%dma_wait3A_664 : memref<1x256x256xf32, #tpu.memory_space<vmem_shared>>)
    "tpu.region"() ({
      %run_scoped3A = tpu.sem_alloc : memref<!tpu.dma_semaphore, #tpu.memory_space<semaphore_mem>>
      %dma_start3A_668 = arith.constant 0 : i32
      %dma_start3A_669 = arith.constant 0 : i32
      %dma_start3A_670 = tpu.memref_slice %arg2[%mul3A_0, %dma_start3A_668, %dma_start3A_669] : memref<48x256x256xf32, #tpu.memory_space<hbm>> -> memref<24x256x256xf32, #tpu.memory_space<hbm>>
      tpu.enqueue_dma source(%arg3 : memref<24x256x256xf32, #tpu.memory_space<vmem_shared>>) target(%dma_start3A_670 : memref<24x256x256xf32, #tpu.memory_space<hbm>>) target_semaphore(%run_scoped3A : memref<!tpu.dma_semaphore, #tpu.memory_space<semaphore_mem>>)
      %dma_wait3A_671 = arith.constant 0 : i32
      %dma_wait3A_672 = arith.constant 0 : i32
      %dma_wait3A_673 = tpu.memref_slice %arg2[%mul3A_0, %dma_wait3A_671, %dma_wait3A_672] : memref<48x256x256xf32, #tpu.memory_space<hbm>> -> memref<24x256x256xf32, #tpu.memory_space<hbm>>
      tpu.wait_dma2 semaphore(%run_scoped3A : memref<!tpu.dma_semaphore, #tpu.memory_space<semaphore_mem>>) src(%arg3 : memref<24x256x256xf32, #tpu.memory_space<vmem_shared>>) dst(%dma_wait3A_673 : memref<24x256x256xf32, #tpu.memory_space<hbm>>)
      tpu.yield
    }) : () -> ()
    return
  }
}

module attributes {stable_mosaic.version = 14 : i64} {
  func.func @_copy_body(%arg0: i32, %arg1: memref<32x256x256xf32, #tpu.memory_space<vmem>>, %arg2: memref<32x256x256xf32, #tpu.memory_space<vmem>>) attributes {dimension_semantics = [#tpu.dimension_semantics<arbitrary>], iteration_bounds = array<i64: 6>, scalar_prefetch = 0 : i64, scratch_operands = 0 : i64, tpu.core_type = #tpu.core_type<tc>, window_params = [{transform_indices = @transform_0, window_bounds = array<i64: 32, 256, 256>}, {transform_indices = @transform_1, window_bounds = array<i64: 32, 256, 256>}]} {
    %get3A = arith.constant 0 : index
    %get3A_0 = arith.constant 0 : index
    %get3A_1 = arith.constant 0 : index
    %get3A_2 = vector.load %arg1[%get3A, %get3A_0, %get3A_1] : memref<32x256x256xf32, #tpu.memory_space<vmem>>, vector<32x256x256xf32>
    %swap3A = arith.constant 0 : index
    %swap3A_3 = arith.constant 0 : index
    %swap3A_4 = arith.constant 0 : index
    %swap3A_5 = vector.load %arg2[%swap3A, %swap3A_3, %swap3A_4] : memref<32x256x256xf32, #tpu.memory_space<vmem>>, vector<32x256x256xf32>
    tpu.vector_store %arg2[%swap3A, %swap3A_3, %swap3A_4], %get3A_2 {strides = array<i32>} : memref<32x256x256xf32, #tpu.memory_space<vmem>>, vector<32x256x256xf32>,
    return
  }
  func.func @transform_0(%arg0: i32) -> (i32, i32, i32) {
    %c0_i32 = arith.constant 0 : i32
    %c0_i32_0 = arith.constant 0 : i32
    %c0_i32_1 = arith.constant 0 : i32
    return %arg0, %c0_i32, %c0_i32_0 : i32, i32, i32
  }
  func.func @transform_1(%arg0: i32) -> (i32, i32, i32) {
    %c0_i32 = arith.constant 0 : i32
    %c0_i32_0 = arith.constant 0 : i32
    %c0_i32_1 = arith.constant 0 : i32
    return %arg0, %c0_i32, %c0_i32_0 : i32, i32, i32
  }
}

</mosaic_0001>

<sc_bundles>
// kernel: kernel.4.cloned.1.call-start
scs
__scs_entry_jumppad:
0x0: {  	(pc) =	sbr.rel $0x88, $3  }
0x1: {  	(tag) =	ssettag $0x0;
	lr =	simm.s32 $0x1  }
0x2: {  	[smem:$0x3FA0] =	sst lr;
	_ =	strace $0xD0000000  }
0x3: {  	_ = 	snop  }
0x4: {  	_ = 	snop  }
0x5: {  	_ = 	snop  }
0x6: {  	_ = 	snop  }
0x7: {  	_ = 	snop  }
__scs_overlays_trampoline_lowered:
0x8: {  	[smem:$0x3FAF] =	sst s0  }
0x9: {  	[smem:$0x3FB0] =	sst s1  }
0xa: {  	[smem:$0x3FB1] =	sst s2  }
0xb: {  	[smem:$0x3FB2] =	sst s3  }
0xc: {  	[smem:$0x3FB3] =	sst s4  }
0xd: {  	[smem:$0x3FB4] =	sst s5  }
0xe: {  	[smem:$0x3FB5] =	sst s6  }
0xf: {  	[smem:$0x3FB6] =	sst s7  }
0x10: {  	[smem:$0x3FB7] =	sst s8  }
0x11: {  	[smem:$0x3FB8] =	sst s9;
	s0 =	simm.s32 @!p0 $0x0  }
0x12: {  	s1 =	sld [smem:$0x3F9E];
	s0 =	simm.s32 @p0 $0x1  }
0x13: {  	[smem:$0x3FB9] =	sst s0;
	s0 =	simm.s32 @!p1 $0x0  }
0x14: {  	s2 =	sld [smem:$0x3F9D];
	s0 =	simm.s32 @p1 $0x1  }
0x15: {  	[smem:$0x3FBA] =	sst s0;
	s0 =	simm.s32 @!p2 $0x0  }
0x16: {  	s3 =	sld [smem:$0x3FDB];
	s0 =	simm.s32 @p2 $0x1  }
0x17: {  	s4 =	simm.s32 $0x1BF5;
	[smem:$0x3FBC] =	sst s0  }
0x18: {  	s0 =	sld [smem:$0x3F9F];
	_ =	swait.ge [sflag:s4], $0x0  }
0x19: {  	s7 =	sld [smem:$0x3FA0]  }
0x1a: {  	s8 =	sadd.s32 $0xFFFFE003, lr  }
0x1b: {  	s9 =	sadd.s32 $0xFFFFFEF7, lr;
	s5 =	simm.s32 $0xFFFFFFFF;
	p2 =	slt.u32 s8, $0xFFFFF086  }
0x1c: {  	p1 =	slt.u32 s9, $0xF7A;
	s5 =	simm.s32 @!p2 $0x0  }
0x1d: {  	s5 =	simm.s32 @p1 $0x1;
	p0 =	seq.s32 s7, s2  }
0x1e: {  	s7 =	smul.u32 @!p0 $0xF7A, s2;
	p2 =	seq.s32 @!p0 s5, $0x0  }
0x1f: {  	s9 =	smul.u32 $0xF7A, s1;
	s8 =	simm.s32 @!p0 $0x1BF5;
	p2 =	por !p2, p0  }
0x20: {  	[sflag:s8] =	ssyncset.s32 @!p0 $0xFFFFF086;
	s6 =	sadd.s32 @!p0 s3, s7;
	s7 =	simm.s32 @!p0 $0x108  }
0x21: {  	s3 =	sadd.s32 s3, s9;
	s6 =	sadd.s32 @!p0 $0x88, s6;
	s7 =	simm.s32 @p2 $0x1082  }
0x22: {  	[simem:s7], [sflag:s8] =	dma.local @!p0 [hbm:s6], $0xF7A  }
0x23: {  	s9 =	sor.u32 $0xD0000000, s2;
	s6 =	simm.s32 $0x108;
	_ =	swait.ge @!p0 [sflag:s8], $0x0  }
0x24: {  	s3 =	sadd.s32 $0x88, s3;
	s6 =	simm.s32 @!p1 $0x1082;
	[sflag:s4] =	ssyncset.s32 $0xFFFFF086  }
0x25: {  	[simem:s6], [sflag:s4] =	dma.local [hbm:s3], $0xF7A  }
0x26: {  	[smem:$0x3FA0] =	sst s1;
	(tag) =	ssettag s2;
	_ =	strace s9  }
0x27: {  	s1 =	sld [smem:$0x3FB0]  }
0x28: {  	s2 =	sld [smem:$0x3FB1]  }
0x29: {  	s4 =	sld [smem:$0x3FB3]  }
0x2a: {  	p0 =	seq.s32 s5, $0x0;
	s5 =	sld [smem:$0x3FB4]  }
0x2b: {  	s6 =	sld [smem:$0x3FB5]  }
0x2c: {  	s7 =	sld [smem:$0x3FB6]  }
0x2d: {  	s3 =	simm.s32 $0x108;
	s8 =	sld [smem:$0x3FB7]  }
0x2e: {  	s3 =	simm.s32 @!p0 $0x1082;
	s9 =	sld [smem:$0x3FB8]  }
0x2f: {  	lr =	sadd.s32 s0, s3;
	s0 =	sld [smem:$0x3FAF]  }
0x30: {  	s3 =	sld [smem:$0x3FB2]  }
0x31: {  	[smem:$0x3FBB] =	sst s10  }
0x32: {  	s10 =	sld [smem:$0x3FB9];
	_ =	sdelay $0x3  }
0x33: {  	p0 =	seq.s32 s10, $0x1;
	s10 =	sld [smem:$0x3FBB];
	_ =	sdelay $0x3  }
0x34: {  	[smem:$0x3FBB] =	sst s10  }
0x35: {  	s10 =	sld [smem:$0x3FBA];
	_ =	sdelay $0x3  }
0x36: {  	p1 =	seq.s32 s10, $0x1;
	s10 =	sld [smem:$0x3FBB];
	_ =	sdelay $0x3  }
0x37: {  	[smem:$0x3FBB] =	sst s10  }
0x38: {  	s10 =	sld [smem:$0x3FBC]  }
0x39: {  	_ = 	snop;
	(pc) =	sbr.ind lr, $3  }
0x3a: {  	_ = 	snop  }
0x3b: {  	_ = 	snop  }
0x3c: {  	p2 =	seq.s32 s10, $0x1;
	s10 =	sld [smem:$0x3FBB]  }
0x3d: {  	_ =	shalt  }
0x3e: {  	_ =	shalt  }
0x3f: {  	_ =	shalt  }
0x40: {  	_ =	shalt  }
0x41: {  	_ =	shalt  }
0x42: {  	_ =	shalt  }
0x43: {  	_ =	shalt  }
0x44: {  	_ =	shalt  }
0x45: {  	_ =	shalt  }
0x46: {  	_ =	shalt  }
0x47: {  	_ =	shalt  }
0x48: {  	_ =	shalt  }
0x49: {  	_ =	shalt  }
0x4a: {  	_ =	shalt  }
0x4b: {  	_ =	shalt  }
0x4c: {  	_ =	shalt  }
0x4d: {  	_ =	shalt  }
0x4e: {  	_ =	shalt  }
0x4f: {  	_ =	shalt  }
0x50: {  	_ =	shalt  }
0x51: {  	_ =	shalt  }
0x52: {  	_ =	shalt  }
0x53: {  	_ =	shalt  }
0x54: {  	_ =	shalt  }
0x55: {  	_ =	shalt  }
0x56: {  	_ =	shalt  }
0x57: {  	_ =	shalt  }
0x58: {  	_ =	shalt  }
0x59: {  	_ =	shalt  }
0x5a: {  	_ =	shalt  }
0x5b: {  	_ =	shalt  }
0x5c: {  	_ =	shalt  }
0x5d: {  	_ =	shalt  }
0x5e: {  	_ =	shalt  }
0x5f: {  	_ =	shalt  }
0x60: {  	_ =	shalt  }
0x61: {  	_ =	shalt  }
0x62: {  	_ =	shalt  }
0x63: {  	_ =	shalt  }
0x64: {  	_ =	shalt  }
0x65: {  	_ =	shalt  }
0x66: {  	_ =	shalt  }
0x67: {  	_ =	shalt  }
0x68: {  	_ =	shalt  }
0x69: {  	_ =	shalt  }
0x6a: {  	_ =	shalt  }
0x6b: {  	_ =	shalt  }
0x6c: {  	_ =	shalt  }
0x6d: {  	_ =	shalt  }
0x6e: {  	_ =	shalt  }
0x6f: {  	_ =	shalt  }
0x70: {  	_ =	shalt  }
0x71: {  	_ =	shalt  }
0x72: {  	_ =	shalt  }
0x73: {  	_ =	shalt  }
0x74: {  	_ =	shalt  }
0x75: {  	_ =	shalt  }
0x76: {  	_ =	shalt  }
0x77: {  	_ =	shalt  }
0x78: {  	_ =	shalt  }
0x79: {  	_ =	shalt  }
0x7a: {  	_ =	shalt  }
0x7b: {  	_ =	shalt  }
0x7c: {  	_ =	shalt  }
0x7d: {  	_ =	shalt  }
0x7e: {  	_ =	shalt  }
0x7f: {  	_ =	shalt  }
0x80: {  	_ =	shalt  }
0x81: {  	_ =	shalt  }
0x82: {  	_ =	shalt  }
0x83: {  	_ =	shalt  }
0x84: {  	_ =	shalt  }
0x85: {  	_ =	shalt  }
0x86: {  	_ =	shalt  }
0x87: {  	_ =	shalt  }
.Lfunc_end0:
.L_simem_size_0:
called_computation_lowered:
.L_overlay_start_0:
0x88: {  	s2 =	sld [smem:$0x3FD9]  }
0x89: {  	s3 =	sld [smem:$0x3FFE];
	_ =	sdelay $0x1  }
0x8a: {  	s1 =	srdreg.scid  }
0x8b: {  	s0 =	sand.u32 $0x1, s1  }
0x8c: {  	s16 =	sshll.u32 s0, $0xA;
	s2 =	sadd.s32 s3, s2  }
0x8d: {  	s2 =	sadd.s32 s2, s16  }
0x8e: {  	[smem:$0x3FC7] =	sst s2  }
0x8f: {  	_ = 	snop  }
0x90: {  	s2 =	sld [smem:$0x3FD0];
	_ =	sdelay $0x2  }
0x91: {  	s17 =	simm.s32 $0xB;
	s4 =	simm.s32 $0x10;
	s5 =	sld [smem:$0x3FC9]  }
0x92: {  	[smem:s4], [sflag:s17] =	dma.local [hbm:s2], $0x1  }
0x93: {  	_ =	swait.eq [sflag:s17], $0x1  }
0x94: {  	[sflag:s17] =	ssyncset.done $0x0  }
0x95: {  	s2 =	simm.s32 $0x0;
	s3 =	sld [smem:$0x10];
	[sflag:s17] =	ssyncadd.s32 $0xFFFFFFFF  }
0x96: {  	[smem:$0xF] =	sst s2  }
0x97: {  	(tm) =	ssettm $0x1  }
0x98: {  	s18 =	sld [smem:$0x3FFB];
	_ =	sdelay $0x3  }
0x99: {  	_ =	strace s18  }
0x9a: {  	s6 =	smul.u32 $0x18, s0;
	s4 =	sld [smem:$0x3FFC]  }
0x9b: {  	_ = 	snop  }
0x9c: {  	s11 =	sor.u32 $0x1, s6;
	s23 =	sand.u32 $0x10, s6  }
0x9d: {  	s11 =	ssub.s32 s11, s23  }
0x9e: {  	s12 =	smul.u32 $0xFFE299B7, s11;
	_ =	strace s4  }
0x9f: {  	s10 =	simm.s32 $0x1B8B;
	s11 =	smul.u32 $0x3F, s11;
	s4 =	sld [smem:$0x3FFD]  }
0xa0: {  	s20 =	simm.s32 $0x1B8E;
	s7 =	smul.u32 $0x60, s0;
	s12 =	sshrl.u32 s12, $0x10  }
0xa1: {  	s24 =	simm.s32 $0x2000;
	s19 =	sand.u32 $0x8, s6;
	s11 =	sadd.s32 s11, s12  }
0xa2: {  	s9 =	sand.u32 $0x40, s7;
	s12 =	sand.u32 $0x8000, s11;
	s11 =	sshll.u32 s11, $0x10  }
0xa3: {  	s12 =	sshrl.u32 s12, $0xF;
	s11 =	sshra.s32 s11, $0x13;
	_ =	strace s4  }
0xa4: {  	s11 =	sadd.s32 s12, s11;
	s4 =	smul.u32 $0x4336E, s19;
	_ =	strace $0x8FFFFFFF  }
0xa5: {  	s25 =	sor.u32 $0x2, s6;
	s11 =	sadd.s32 s11, s9;
	_ =	swait.ge [sflag:s10], $0x1  }
0xa6: {  	s11 =	sshll.u32 s11, $0xD;
	s8 =	sshrl.u32 s4, $0x10;
	[sflag:s10] =	ssyncset.done $0x0  }
0xa7: {  	s11 =	sand.u32 $0x1FFFE000, s11;
	s21 =	sor.u32 s8, s9;
	[sflag:s10] =	ssyncadd.s32 $0xFFFFFFFF  }
0xa8: {  	s11 =	sadd.s32 s11, s5;
	s22 =	sshll.u32 s21, $0xD;
	[smem:$0x3FD2] =	sst s20  }
0xa9: {  	s4 =	simm.s32 $0x9;
	s10 =	sadd.s32 s22, s5;
	_ =	strace $0x80000046  }
0xaa: {  	[spmem:s2], [sflag:s4] =	dma.local [hbm:s10], $0x2000  }
0xab: {  	[spmem:s24], [sflag:s4] =	dma.local [hbm:s11], $0x2000  }
0xac: {  	s11 =	ssub.s32 s25, s23  }
0xad: {  	s26 =	smul.u32 $0xFFE299B7, s11  }
0xae: {  	s11 =	smul.u32 $0x3F, s11  }
0xaf: {  	s12 =	sshrl.u32 s26, $0x10  }
0xb0: {  	s11 =	sadd.s32 s11, s12  }
0xb1: {  	s12 =	sand.u32 $0x8000, s11;
	s11 =	sshll.u32 s11, $0x10  }
0xb2: {  	s12 =	sshrl.u32 s12, $0xF;
	s11 =	sshra.s32 s11, $0x13  }
0xb3: {  	s11 =	sadd.s32 s12, s11  }
0xb4: {  	s11 =	sadd.s32 s11, s9  }
0xb5: {  	s11 =	sshll.u32 s11, $0xD  }
0xb6: {  	s11 =	sand.u32 $0x1FFFE000, s11  }
0xb7: {  	s28 =	simm.s32 $0x4000;
	s29 =	sor.u32 $0x3, s6;
	s11 =	sadd.s32 s11, s5  }
0xb8: {  	[spmem:s28], [sflag:s4] =	dma.local [hbm:s11], $0x2000  }
0xb9: {  	s11 =	ssub.s32 s29, s23  }
0xba: {  	s30 =	smul.u32 $0xFFE299B7, s11  }
0xbb: {  	s11 =	smul.u32 $0x3F, s11  }
0xbc: {  	s12 =	sshrl.u32 s30, $0x10  }
0xbd: {  	s11 =	sadd.s32 s11, s12  }
0xbe: {  	s12 =	sand.u32 $0x8000, s11;
	s11 =	sshll.u32 s11, $0x10  }
0xbf: {  	s12 =	sshrl.u32 s12, $0xF;
	s11 =	sshra.s32 s11, $0x13  }
0xc0: {  	s11 =	sadd.s32 s12, s11  }
0xc1: {  	s11 =	sadd.s32 s11, s9  }
0xc2: {  	s11 =	sshll.u32 s11, $0xD  }
0xc3: {  	s11 =	sand.u32 $0x1FFFE000, s11  }
0xc4: {  	s31 =	simm.s32 $0x6000;
	s13 =	sor.u32 $0x4, s6;
	s11 =	sadd.s32 s11, s5  }
0xc5: {  	[spmem:s31], [sflag:s4] =	dma.local [hbm:s11], $0x2000  }
0xc6: {  	s11 =	ssub.s32 s13, s23  }
0xc7: {  	s14 =	smul.u32 $0xFFE299B7, s11  }
0xc8: {  	s11 =	smul.u32 $0x3F, s11  }
0xc9: {  	s12 =	sshrl.u32 s14, $0x10  }
0xca: {  	s11 =	sadd.s32 s11, s12  }
0xcb: {  	s12 =	sand.u32 $0x8000, s11;
	s11 =	sshll.u32 s11, $0x10  }
0xcc: {  	s12 =	sshrl.u32 s12, $0xF;
	s11 =	sshra.s32 s11, $0x13  }
0xcd: {  	s11 =	sadd.s32 s12, s11  }
0xce: {  	s11 =	sadd.s32 s11, s9  }
0xcf: {  	s11 =	sshll.u32 s11, $0xD  }
0xd0: {  	s11 =	sand.u32 $0x1FFFE000, s11  }
0xd1: {  	s15 =	simm.s32 $0x8000;
	s16 =	sor.u32 $0x5, s6;
	s11 =	sadd.s32 s11, s5  }
0xd2: {  	[spmem:s15], [sflag:s4] =	dma.local [hbm:s11], $0x2000  }
0xd3: {  	s11 =	ssub.s32 s16, s23  }
0xd4: {  	s17 =	smul.u32 $0xFFE299B7, s11  }
0xd5: {  	s11 =	smul.u32 $0x3F, s11  }
0xd6: {  	s12 =	sshrl.u32 s17, $0x10  }
0xd7: {  	s11 =	sadd.s32 s11, s12  }
0xd8: {  	s12 =	sand.u32 $0x8000, s11;
	s11 =	sshll.u32 s11, $0x10  }
0xd9: {  	s12 =	sshrl.u32 s12, $0xF;
	s11 =	sshra.s32 s11, $0x13  }
0xda: {  	s11 =	sadd.s32 s12, s11  }
0xdb: {  	s11 =	sadd.s32 s11, s9  }
0xdc: {  	s11 =	sshll.u32 s11, $0xD  }
0xdd: {  	s11 =	sand.u32 $0x1FFFE000, s11  }
0xde: {  	s18 =	simm.s32 $0xA000;
	s19 =	sor.u32 $0x6, s6;
	s11 =	sadd.s32 s11, s5  }
0xdf: {  	[spmem:s18], [sflag:s4] =	dma.local [hbm:s11], $0x2000  }
0xe0: {  	s11 =	ssub.s32 s19, s23  }
0xe1: {  	s20 =	smul.u32 $0xFFE299B7, s11  }
0xe2: {  	s11 =	smul.u32 $0x3F, s11  }
0xe3: {  	s12 =	sshrl.u32 s20, $0x10  }
0xe4: {  	s11 =	sadd.s32 s11, s12  }
0xe5: {  	s12 =	sand.u32 $0x8000, s11;
	s11 =	sshll.u32 s11, $0x10  }
0xe6: {  	s12 =	sshrl.u32 s12, $0xF;
	s11 =	sshra.s32 s11, $0x13  }
0xe7: {  	s11 =	sadd.s32 s12, s11  }
0xe8: {  	s11 =	sadd.s32 s11, s9  }
0xe9: {  	s11 =	sshll.u32 s11, $0xD  }
0xea: {  	s22 =	sor.u32 $0x7, s6;
	s11 =	sand.u32 $0x1FFFE000, s11  }
0xeb: {  	s21 =	simm.s32 $0xC000;
	s10 =	ssub.s32 s22, s23;
	s11 =	sadd.s32 s11, s5  }
0xec: {  	[spmem:s21], [sflag:s4] =	dma.local [hbm:s11], $0x2000  }
0xed: {  	s11 =	smul.u32 $0xFFE299B7, s10  }
0xee: {  	s10 =	smul.u32 $0x3F, s10  }
0xef: {  	s11 =	sshrl.u32 s11, $0x10  }
0xf0: {  	s10 =	sadd.s32 s10, s11  }
0xf1: {  	s11 =	sand.u32 $0x8000, s10;
	s10 =	sshll.u32 s10, $0x10  }
0xf2: {  	s11 =	sshrl.u32 s11, $0xF;
	s10 =	sshra.s32 s10, $0x13  }
0xf3: {  	s10 =	sadd.s32 s11, s10  }
0xf4: {  	s9 =	sadd.s32 s10, s9  }
0xf5: {  	s24 =	sadd.s32 $0x8, s6;
	s9 =	sshll.u32 s9, $0xD  }
0xf6: {  	s25 =	sand.u32 $0x8, s24;
	s9 =	sand.u32 $0x1FFFE000, s9  }
0xf7: {  	s23 =	simm.s32 $0xE000;
	s10 =	smul.u32 $0x4336E, s25;
	s9 =	sadd.s32 s9, s5  }
0xf8: {  	[spmem:s23], [sflag:s4] =	dma.local [hbm:s9], $0x2000  }
0xf9: {  	s9 =	sshll.u32 s24, $0x2  }
0xfa: {  	s10 =	sshrl.u32 s10, $0x10;
	s9 =	sand.u32 $0xC0, s9  }
0xfb: {  	s28 =	sadd.s32 $0x9, s6;
	s9 =	sor.u32 s10, s9  }
0xfc: {  	s29 =	sand.u32 $0x9, s28;
	s9 =	sshll.u32 s9, $0xD  }
0xfd: {  	s26 =	simm.s32 $0x10000;
	s10 =	smul.u32 $0x4336E, s29;
	s9 =	sadd.s32 s9, s5  }
0xfe: {  	[spmem:s26], [sflag:s4] =	dma.local [hbm:s9], $0x2000  }
0xff: {  	s9 =	sshll.u32 s28, $0x2  }
0x100: {  	s10 =	sshrl.u32 s10, $0x10;
	s9 =	sand.u32 $0xC0, s9  }
0x101: {  	s31 =	sadd.s32 $0xA, s6;
	s9 =	sor.u32 s10, s9  }
0x102: {  	s11 =	sand.u32 $0xA, s31;
	s9 =	sshll.u32 s9, $0xD  }
0x103: {  	s30 =	simm.s32 $0x12000;
	s10 =	smul.u32 $0x4336E, s11;
	s9 =	sadd.s32 s9, s5  }
0x104: {  	[spmem:s30], [sflag:s4] =	dma.local [hbm:s9], $0x2000  }
0x105: {  	s9 =	sshll.u32 s31, $0x2  }
0x106: {  	s10 =	sshrl.u32 s10, $0x10;
	s9 =	sand.u32 $0xC0, s9  }
0x107: {  	s13 =	sadd.s32 $0xB, s6;
	s9 =	sor.u32 s10, s9  }
0x108: {  	s14 =	sand.u32 $0xB, s13;
	s9 =	sshll.u32 s9, $0xD  }
0x109: {  	s12 =	simm.s32 $0x14000;
	s10 =	smul.u32 $0x4336E, s14;
	s9 =	sadd.s32 s9, s5  }
0x10a: {  	[spmem:s12], [sflag:s4] =	dma.local [hbm:s9], $0x2000  }
0x10b: {  	s9 =	sshll.u32 s13, $0x2  }
0x10c: {  	s10 =	sshrl.u32 s10, $0x10;
	s9 =	sand.u32 $0xC0, s9  }
0x10d: {  	s16 =	sadd.s32 $0xC, s6;
	s9 =	sor.u32 s10, s9  }
0x10e: {  	s17 =	sand.u32 $0xC, s16;
	s9 =	sshll.u32 s9, $0xD  }
0x10f: {  	s15 =	simm.s32 $0x16000;
	s10 =	smul.u32 $0x4336E, s17;
	s9 =	sadd.s32 s9, s5  }
0x110: {  	[spmem:s15], [sflag:s4] =	dma.local [hbm:s9], $0x2000  }
0x111: {  	s9 =	sshll.u32 s16, $0x2  }
0x112: {  	s10 =	sshrl.u32 s10, $0x10;
	s9 =	sand.u32 $0xC0, s9  }
0x113: {  	s19 =	sadd.s32 $0xD, s6;
	s9 =	sor.u32 s10, s9  }
0x114: {  	s20 =	sand.u32 $0xD, s19;
	s9 =	sshll.u32 s9, $0xD  }
0x115: {  	s18 =	simm.s32 $0x18000;
	s10 =	smul.u32 $0x4336E, s20;
	s9 =	sadd.s32 s9, s5  }
0x116: {  	[spmem:s18], [sflag:s4] =	dma.local [hbm:s9], $0x2000  }
0x117: {  	s9 =	sshll.u32 s19, $0x2  }
0x118: {  	s10 =	sshrl.u32 s10, $0x10;
	s9 =	sand.u32 $0xC0, s9  }
0x119: {  	s22 =	sadd.s32 $0xE, s6;
	s9 =	sor.u32 s10, s9  }
0x11a: {  	s23 =	sand.u32 $0xE, s22;
	s9 =	sshll.u32 s9, $0xD  }
0x11b: {  	s21 =	simm.s32 $0x1A000;
	s10 =	smul.u32 $0x4336E, s23;
	s9 =	sadd.s32 s9, s5  }
0x11c: {  	[spmem:s21], [sflag:s4] =	dma.local [hbm:s9], $0x2000  }
0x11d: {  	s9 =	sshll.u32 s22, $0x2  }
0x11e: {  	s10 =	sshrl.u32 s10, $0x10;
	s9 =	sand.u32 $0xC0, s9  }
0x11f: {  	s7 =	sadd.s32 $0x40, s7;
	s25 =	sadd.s32 $0xF, s6;
	s9 =	sor.u32 s10, s9  }
0x120: {  	s7 =	sand.u32 $0xC0, s7;
	s26 =	sand.u32 $0xF, s25;
	s9 =	sshll.u32 s9, $0xD  }
0x121: {  	s24 =	simm.s32 $0x1C000;
	s10 =	smul.u32 $0x4336E, s26;
	s9 =	sadd.s32 s9, s5  }
0x122: {  	[spmem:s24], [sflag:s4] =	dma.local [hbm:s9], $0x2000  }
0x123: {  	s7 =	sor.u32 s8, s7;
	s9 =	sshll.u32 s25, $0x2  }
0x124: {  	s7 =	sshll.u32 s7, $0xD;
	s10 =	sshrl.u32 s10, $0x10;
	s9 =	sand.u32 $0xC0, s9  }
0x125: {  	s7 =	sadd.s32 s7, s5;
	s30 =	sadd.s32 $0x11, s6;
	s9 =	sor.u32 s10, s9  }
0x126: {  	s29 =	simm.s32 $0x20000;
	s31 =	sand.u32 $0x9, s30;
	s9 =	sshll.u32 s9, $0xD  }
0x127: {  	s28 =	simm.s32 $0x1E000;
	s8 =	smul.u32 $0x4336E, s31;
	s9 =	sadd.s32 s9, s5  }
0x128: {  	[spmem:s28], [sflag:s4] =	dma.local [hbm:s9], $0x2000  }
0x129: {  	[spmem:s29], [sflag:s4] =	dma.local [hbm:s7], $0x2000  }
0x12a: {  	s7 =	sshll.u32 s30, $0x2  }
0x12b: {  	s8 =	sshrl.u32 s8, $0x10;
	s7 =	sand.u32 $0xC0, s7  }
0x12c: {  	s10 =	sadd.s32 $0x12, s6;
	s7 =	sor.u32 s8, s7  }
0x12d: {  	s11 =	sand.u32 $0xA, s10;
	s7 =	sshll.u32 s7, $0xD  }
0x12e: {  	s9 =	simm.s32 $0x22000;
	s8 =	smul.u32 $0x4336E, s11;
	s7 =	sadd.s32 s7, s5  }
0x12f: {  	[spmem:s9], [sflag:s4] =	dma.local [hbm:s7], $0x2000  }
0x130: {  	s7 =	sshll.u32 s10, $0x2  }
0x131: {  	s8 =	sshrl.u32 s8, $0x10;
	s7 =	sand.u32 $0xC0, s7  }
0x132: {  	s13 =	sadd.s32 $0x13, s6;
	s7 =	sor.u32 s8, s7  }
0x133: {  	s14 =	sand.u32 $0xB, s13;
	s7 =	sshll.u32 s7, $0xD  }
0x134: {  	s12 =	simm.s32 $0x24000;
	s8 =	smul.u32 $0x4336E, s14;
	s7 =	sadd.s32 s7, s5  }
0x135: {  	[spmem:s12], [sflag:s4] =	dma.local [hbm:s7], $0x2000  }
0x136: {  	s7 =	sshll.u32 s13, $0x2  }
0x137: {  	s8 =	sshrl.u32 s8, $0x10;
	s7 =	sand.u32 $0xC0, s7  }
0x138: {  	s16 =	sadd.s32 $0x14, s6;
	s7 =	sor.u32 s8, s7  }
0x139: {  	s17 =	sand.u32 $0xC, s16;
	s7 =	sshll.u32 s7, $0xD  }
0x13a: {  	s15 =	simm.s32 $0x26000;
	s8 =	smul.u32 $0x4336E, s17;
	s7 =	sadd.s32 s7, s5  }
0x13b: {  	[spmem:s15], [sflag:s4] =	dma.local [hbm:s7], $0x2000  }
0x13c: {  	s7 =	sshll.u32 s16, $0x2  }
0x13d: {  	s8 =	sshrl.u32 s8, $0x10;
	s7 =	sand.u32 $0xC0, s7  }
0x13e: {  	s19 =	sadd.s32 $0x15, s6;
	s7 =	sor.u32 s8, s7  }
0x13f: {  	s20 =	sand.u32 $0xD, s19;
	s7 =	sshll.u32 s7, $0xD  }
0x140: {  	s18 =	simm.s32 $0x28000;
	s8 =	smul.u32 $0x4336E, s20;
	s7 =	sadd.s32 s7, s5  }
0x141: {  	[spmem:s18], [sflag:s4] =	dma.local [hbm:s7], $0x2000  }
0x142: {  	s7 =	sshll.u32 s19, $0x2  }
0x143: {  	s8 =	sshrl.u32 s8, $0x10;
	s7 =	sand.u32 $0xC0, s7  }
0x144: {  	s22 =	sadd.s32 $0x16, s6;
	s7 =	sor.u32 s8, s7  }
0x145: {  	s23 =	sand.u32 $0xE, s22;
	s7 =	sshll.u32 s7, $0xD  }
0x146: {  	s21 =	simm.s32 $0x2A000;
	s8 =	smul.u32 $0x4336E, s23;
	s7 =	sadd.s32 s7, s5  }
0x147: {  	[spmem:s21], [sflag:s4] =	dma.local [hbm:s7], $0x2000  }
0x148: {  	s7 =	sshll.u32 s22, $0x2  }
0x149: {  	s8 =	sshrl.u32 s8, $0x10;
	s7 =	sand.u32 $0xC0, s7  }
0x14a: {  	s7 =	sor.u32 s8, s7  }
0x14b: {  	s6 =	sadd.s32 $0x17, s6;
	s7 =	sshll.u32 s7, $0xD  }
0x14c: {  	s24 =	simm.s32 $0x2C000;
	s25 =	sand.u32 $0xF, s6;
	s7 =	sadd.s32 s7, s5  }
0x14d: {  	[spmem:s24], [sflag:s4] =	dma.local [hbm:s7], $0x2000  }
0x14e: {  	s7 =	smul.u32 $0x4336E, s25  }
0x14f: {  	s6 =	sshll.u32 s6, $0x2  }
0x150: {  	s6 =	sand.u32 $0xC0, s6;
	s7 =	sshrl.u32 s7, $0x10  }
0x151: {  	s6 =	sor.u32 s7, s6  }
0x152: {  	s6 =	sshll.u32 s6, $0xD  }
0x153: {  	s26 =	simm.s32 $0x2E000;
	s5 =	sadd.s32 s6, s5  }
0x154: {  	[spmem:s26], [sflag:s4] =	dma.local [hbm:s5], $0x2000  }
0x155: {  	_ =	swait.ge [sflag:s4], $0x2000  }
0x156: {  	[sflag:s4] =	ssyncset.done $0x0  }
0x157: {  	[sflag:s4] =	ssyncadd.s32 $0xFFFFE000;
	_ =	sdelay $0x2  }
0x158: {  	_ =	swait.ge [sflag:s4], $0x2000  }
0x159: {  	[sflag:s4] =	ssyncset.done $0x0  }
0x15a: {  	[sflag:s4] =	ssyncadd.s32 $0xFFFFE000;
	_ =	sdelay $0x2  }
0x15b: {  	_ =	swait.ge [sflag:s4], $0x2000  }
0x15c: {  	[sflag:s4] =	ssyncset.done $0x0  }
0x15d: {  	[sflag:s4] =	ssyncadd.s32 $0xFFFFE000;
	_ =	sdelay $0x2  }
0x15e: {  	_ =	swait.ge [sflag:s4], $0x2000  }
0x15f: {  	[sflag:s4] =	ssyncset.done $0x0  }
0x160: {  	[sflag:s4] =	ssyncadd.s32 $0xFFFFE000;
	_ =	sdelay $0x2  }
0x161: {  	_ =	swait.ge [sflag:s4], $0x2000  }
0x162: {  	[sflag:s4] =	ssyncset.done $0x0  }
0x163: {  	[sflag:s4] =	ssyncadd.s32 $0xFFFFE000;
	_ =	sdelay $0x2  }
0x164: {  	_ =	swait.ge [sflag:s4], $0x2000  }
0x165: {  	[sflag:s4] =	ssyncset.done $0x0  }
0x166: {  	[sflag:s4] =	ssyncadd.s32 $0xFFFFE000;
	_ =	sdelay $0x2  }
0x167: {  	_ =	swait.ge [sflag:s4], $0x2000  }
0x168: {  	[sflag:s4] =	ssyncset.done $0x0  }
0x169: {  	[sflag:s4] =	ssyncadd.s32 $0xFFFFE000;
	_ =	sdelay $0x2  }
0x16a: {  	_ =	swait.ge [sflag:s4], $0x2000  }
0x16b: {  	[sflag:s4] =	ssyncset.done $0x0  }
0x16c: {  	[sflag:s4] =	ssyncadd.s32 $0xFFFFE000;
	_ =	sdelay $0x2  }
0x16d: {  	_ =	swait.ge [sflag:s4], $0x2000  }
0x16e: {  	[sflag:s4] =	ssyncset.done $0x0  }
0x16f: {  	[sflag:s4] =	ssyncadd.s32 $0xFFFFE000;
	_ =	sdelay $0x2  }
0x170: {  	_ =	swait.ge [sflag:s4], $0x2000  }
0x171: {  	[sflag:s4] =	ssyncset.done $0x0  }
0x172: {  	[sflag:s4] =	ssyncadd.s32 $0xFFFFE000;
	_ =	sdelay $0x2  }
0x173: {  	_ =	swait.ge [sflag:s4], $0x2000  }
0x174: {  	[sflag:s4] =	ssyncset.done $0x0  }
0x175: {  	[sflag:s4] =	ssyncadd.s32 $0xFFFFE000;
	_ =	sdelay $0x2  }
0x176: {  	_ =	swait.ge [sflag:s4], $0x2000  }
0x177: {  	[sflag:s4] =	ssyncset.done $0x0  }
0x178: {  	[sflag:s4] =	ssyncadd.s32 $0xFFFFE000;
	_ =	sdelay $0x2  }
0x179: {  	_ =	swait.ge [sflag:s4], $0x2000  }
0x17a: {  	[sflag:s4] =	ssyncset.done $0x0  }
0x17b: {  	[sflag:s4] =	ssyncadd.s32 $0xFFFFE000;
	_ =	sdelay $0x2  }
0x17c: {  	_ =	swait.ge [sflag:s4], $0x2000  }
0x17d: {  	[sflag:s4] =	ssyncset.done $0x0  }
0x17e: {  	[sflag:s4] =	ssyncadd.s32 $0xFFFFE000;
	_ =	sdelay $0x2  }
0x17f: {  	_ =	swait.ge [sflag:s4], $0x2000  }
0x180: {  	[sflag:s4] =	ssyncset.done $0x0  }
0x181: {  	[sflag:s4] =	ssyncadd.s32 $0xFFFFE000;
	_ =	sdelay $0x2  }
0x182: {  	_ =	swait.ge [sflag:s4], $0x2000  }
0x183: {  	[sflag:s4] =	ssyncset.done $0x0  }
0x184: {  	[sflag:s4] =	ssyncadd.s32 $0xFFFFE000;
	_ =	sdelay $0x2  }
0x185: {  	_ =	swait.ge [sflag:s4], $0x2000  }
0x186: {  	[sflag:s4] =	ssyncset.done $0x0  }
0x187: {  	[sflag:s4] =	ssyncadd.s32 $0xFFFFE000;
	_ =	sdelay $0x2  }
0x188: {  	_ =	swait.ge [sflag:s4], $0x2000  }
0x189: {  	[sflag:s4] =	ssyncset.done $0x0  }
0x18a: {  	[sflag:s4] =	ssyncadd.s32 $0xFFFFE000;
	_ =	sdelay $0x2  }
0x18b: {  	_ =	swait.ge [sflag:s4], $0x2000  }
0x18c: {  	[sflag:s4] =	ssyncset.done $0x0  }
0x18d: {  	[sflag:s4] =	ssyncadd.s32 $0xFFFFE000;
	_ =	sdelay $0x2  }
0x18e: {  	_ =	swait.ge [sflag:s4], $0x2000  }
0x18f: {  	[sflag:s4] =	ssyncset.done $0x0  }
0x190: {  	[sflag:s4] =	ssyncadd.s32 $0xFFFFE000;
	_ =	sdelay $0x2  }
0x191: {  	_ =	swait.ge [sflag:s4], $0x2000  }
0x192: {  	[sflag:s4] =	ssyncset.done $0x0  }
0x193: {  	[sflag:s4] =	ssyncadd.s32 $0xFFFFE000;
	_ =	sdelay $0x2  }
0x194: {  	_ =	swait.ge [sflag:s4], $0x2000  }
0x195: {  	[sflag:s4] =	ssyncset.done $0x0  }
0x196: {  	[sflag:s4] =	ssyncadd.s32 $0xFFFFE000;
	_ =	sdelay $0x2  }
0x197: {  	_ =	swait.ge [sflag:s4], $0x2000  }
0x198: {  	[sflag:s4] =	ssyncset.done $0x0  }
0x199: {  	[sflag:s4] =	ssyncadd.s32 $0xFFFFE000;
	_ =	sdelay $0x2  }
0x19a: {  	_ =	swait.ge [sflag:s4], $0x2000  }
0x19b: {  	s28 =	smul.u32 $0x30000, s0;
	[sflag:s4] =	ssyncset.done $0x0  }
0x19c: {  	[sflag:s4] =	ssyncadd.s32 $0xFFFFE000  }
0x19d: {  	s29 =	simm.s32 $0xA;
	s3 =	sadd.s32 s28, s3  }
0x19e: {  	[hbm:s3], [sflag:s29] =	dma.local [spmem:s2], $0x30000  }
0x19f: {  	_ =	swait.ge [sflag:s29], $0x30000  }
0x1a0: {  	[sflag:s29] =	ssyncset.done $0x0  }
0x1a1: {  	[sflag:s29] =	ssyncadd.s32 $0xFFFD0000  }
0x1a2: {  	_ =	strace $0x90000046  }
0x1a3: {  	_ =	sfence  }
0x1a4: {  	s30 =	sld [smem:$0x0];
	_ =	sdelay $0x2  }
0x1a5: {  	s31 =	sshll.u32 s1, $0xD;
	s1 =	sshrl.u32 s1, $0x2  }
0x1a6: {  	s3 =	sand.u32 $0x4000, s31;
	s1 =	sadd.s32 s1, s30  }
0x1a7: {  	s0 =	sor.u32 s3, s0;
	s1 =	sshll.u32 s1, $0x11  }
0x1a8: {  	s0 =	sor.u32 s1, s0  }
0x1a9: {  	s0 =	sadd.s32 $0x8F2B, s0;
	(pc) =	sbr.abs _section_cstart, $3  }
0x1aa: {  	[sflag:s0] =	ssyncadd.remote.s32 $0x1  }
0x1ab: {  	_ =	strace $0x9FFFFFFF  }
0x1ac: {  	(tm) =	ssettm $0x7FFFFFFF  }
0x1ad: {  	_ =	shalt  }

</sc_bundles>
